<compile_context>
chip_gen: v7x
topology: tpu7x:2x2x1
jax: 0.10.2.dev20260603
libtpu: 0.0.44.dev20260713+nightly
codegen_flags: <defaults>
</compile_context>

<pallas_src>
import functools
import math

import jax
import jax.numpy as jnp
from jax import lax
from jax.experimental import pallas as pl
from jax.experimental.pallas import tpu as pltpu
from jax.experimental.pallas import tpu_sc as plsc

N = 10000
E = 320000
D = 128
EPS = 1e-5
BN_SCALE = 1.0 / math.sqrt(1.0 + EPS)

NC = 2
NS = 16
NW = NC * NS
K = 128
E_PAD = 327680
NP = 10240
PAD_ROW = 10000
RPT = NP // NS
DEG_W = 16

NCH_A = E_PAD // (NS * K)
NCH_D = NCH_A // NC
EW_ES = E_PAD // NW
NCH_ES = EW_ES // K
NG_ES = NCH_ES // 4

BR = 1000



@functools.cache
def _sc_mesh():
    return plsc.VectorSubcoreMesh(core_axis_name="c", subcore_axis_name="s",
                                  num_cores=NC, num_subcores=NS)


@functools.cache
def _deg_kernel():
    @functools.partial(
        pl.kernel,
        out_type=jax.ShapeDtypeStruct((NC, NP, DEG_W), jnp.float32),
        mesh=_sc_mesh(),
        compiler_params=pltpu.CompilerParams(use_tc_tiling_on_sc=False),
        scratch_types=[
            pltpu.VMEM_SHARED((NP, DEG_W), jnp.float32),
            pltpu.VMEM((NCH_D, K), jnp.int32),
            pltpu.VMEM((K, DEG_W), jnp.float32),
        ],
    )
    def deg(dst3_hbm, ones_hbm, zeros_hbm, out_hbm, acc_sh, didx, ones_v):
        c = lax.axis_index("c")
        s = lax.axis_index("s")
        pltpu.sync_copy(zeros_hbm, acc_sh.at[pl.ds(s * RPT, RPT)])
        pltpu.sync_copy(dst3_hbm.at[s, pl.ds(c * NCH_D, NCH_D)], didx)
        pltpu.sync_copy(ones_hbm, ones_v)
        plsc.subcore_barrier()

        def body(i, carry):
            pltpu.sync_copy(ones_v, acc_sh.at[didx.at[i]], add=True)
            return carry

        lax.fori_loop(0, NCH_D, body, 0)
        plsc.subcore_barrier()
        pltpu.sync_copy(acc_sh.at[pl.ds(s * RPT, RPT)],
                        out_hbm.at[c, pl.ds(s * RPT, RPT)])

    return deg


@functools.cache
def _agg_kernel():
    @functools.partial(
        pl.kernel,
        out_type=jax.ShapeDtypeStruct((NC, NP, D), jnp.float32),
        mesh=_sc_mesh(),
        compiler_params=pltpu.CompilerParams(use_tc_tiling_on_sc=False),
        scratch_types=[
            pltpu.VMEM_SHARED((NP, D), jnp.float32),
        ] + [pltpu.VMEM((K,), jnp.int32)] * 8
          + [pltpu.VMEM((K, D), jnp.float32)] * 2
          + [pltpu.SemaphoreType.DMA] * 10,
    )
    def agg(s_hbm, src_hbm, dst_hbm, zeros_hbm, out_hbm, acc_sh, *rest):
        sidx = rest[0:4]
        didx = rest[4:8]
        bufs = rest[8:10]
        isems = rest[10:14]
        gsems = rest[14:16]
        ssems = rest[16:20]
        c = lax.axis_index("c")
        s = lax.axis_index("s")
        base0 = (c * NS + s) * EW_ES
        pltpu.sync_copy(zeros_hbm, acc_sh.at[pl.ds(s * RPT, RPT)])
        plsc.subcore_barrier()

        def start_idx(ch, slot):
            b = base0 + ch * K
            pltpu.async_copy(src_hbm.at[pl.ds(b, K)], sidx[slot], isems[slot])
            pltpu.async_copy(dst_hbm.at[pl.ds(b, K)], didx[slot], isems[slot])

        def wait_idx(ch, slot):
            b = base0 + ch * K
            pltpu.make_async_copy(src_hbm.at[pl.ds(b, K)], sidx[slot],
                                  isems[slot]).wait()
            pltpu.make_async_copy(dst_hbm.at[pl.ds(b, K)], didx[slot],
                                  isems[slot]).wait()

        for j in range(2):
            start_idx(j, j)

        def group(i, carry):
            for j in range(4):
                ch = 4 * i + j
                j2 = (j + 2) % 4

                @pl.when(ch >= 2)
                def _():
                    pltpu.make_async_copy(bufs[j % 2], acc_sh.at[didx[j2]],
                                          ssems[j2]).wait()

                @pl.when(ch + 2 < NCH_ES)
                def _():
                    start_idx(ch + 2, j2)

                wait_idx(ch, j)
                pltpu.async_copy(s_hbm.at[sidx[j]], bufs[j % 2], gsems[j % 2])
                pltpu.make_async_copy(s_hbm.at[sidx[j]], bufs[j % 2],
                                      gsems[j % 2]).wait()
                pltpu.async_copy(bufs[j % 2], acc_sh.at[didx[j]], ssems[j],
                                 add=True)
            return carry

        lax.fori_loop(0, NG_ES, group, 0)
        for ch in (NCH_ES - 2, NCH_ES - 1):
            j = ch % 4
            pltpu.make_async_copy(bufs[j % 2], acc_sh.at[didx[j]],
                                  ssems[j]).wait()
        plsc.subcore_barrier()
        pltpu.sync_copy(acc_sh.at[pl.ds(s * RPT, RPT)],
                        out_hbm.at[c, pl.ds(s * RPT, RPT)])

    return agg



def _dis_from(deg_ref):
    deg = 1.0 + deg_ref[0, :, 0] + deg_ref[1, :, 0]
    return lax.rsqrt(deg)[:, None]


def _tc_first_body(x_ref, w_ref, deg_ref, out_ref):
    hw = jnp.dot(x_ref[...], w_ref[...], preferred_element_type=jnp.float32)
    out_ref[...] = hw * _dis_from(deg_ref)


def _tc_mid_body(acc_ref, sprev_ref, deg_ref, b_ref, g_ref, be_ref, w_ref,
                 h_ref, snext_ref):
    dis = _dis_from(deg_ref)
    agg = (acc_ref[0] + acc_ref[1] + sprev_ref[...]) * dis
    h = jnp.maximum((agg + b_ref[0]) * (g_ref[0] * BN_SCALE) + be_ref[0], 0.0)
    h_ref[...] = h
    snext_ref[...] = jnp.dot(h, w_ref[...],
                             preferred_element_type=jnp.float32) * dis


def _tc_head_body(h_ref, wl_ref, bl_ref, out_ref):
    out_ref[...] = (
        jnp.dot(h_ref[0], wl_ref[0], preferred_element_type=jnp.float32)
        + jnp.dot(h_ref[1], wl_ref[1], preferred_element_type=jnp.float32)
        + jnp.dot(h_ref[2], wl_ref[2], preferred_element_type=jnp.float32)
        + bl_ref[0]
    )


_row_spec = pl.BlockSpec((BR, D), lambda i: (i, 0))
_acc_spec = pl.BlockSpec((NC, BR, D), lambda i: (0, i, 0))
_deg_spec = pl.BlockSpec((NC, BR, DEG_W), lambda i: (0, i, 0))
_w_spec = pl.BlockSpec((D, D), lambda i: (0, 0))
_vec_spec = pl.BlockSpec((1, D), lambda i: (0, 0))

_s_shape = jax.ShapeDtypeStruct((N, D), jnp.float32)

_tc_first = pl.pallas_call(
    _tc_first_body,
    grid=(N // BR,),
    in_specs=[_row_spec, _w_spec, _deg_spec],
    out_specs=_row_spec,
    out_shape=_s_shape,
)

_tc_mid = pl.pallas_call(
    _tc_mid_body,
    grid=(N // BR,),
    in_specs=[_acc_spec, _row_spec, _deg_spec,
              _vec_spec, _vec_spec, _vec_spec, _w_spec],
    out_specs=(_row_spec, _row_spec),
    out_shape=(jax.ShapeDtypeStruct((N, D), jnp.float32), _s_shape),
)

_tc_head = pl.pallas_call(
    _tc_head_body,
    grid=(N // BR,),
    in_specs=[pl.BlockSpec((3, BR, D), lambda i: (0, i, 0)),
              pl.BlockSpec((3, D, D), lambda i: (0, 0, 0)), _vec_spec],
    out_specs=_row_spec,
    out_shape=jax.ShapeDtypeStruct((N, D), jnp.float32),
)


def kernel(x, edge_index, W0, b0, g0, be0, W1, b1, g1, be1, W2, b2, g2, be2,
           Wl, bl):
    zeros_rows = jnp.zeros((RPT, D), jnp.float32)
    zeros_deg = jnp.zeros((RPT, DEG_W), jnp.float32)
    ones_deg = jnp.ones((K, DEG_W), jnp.float32)
    r2 = lambda v: v.reshape(1, D)

    deg_k = _deg_kernel()
    agg_k = _agg_kernel()
    npad = E_PAD - E
    pad_src = (jnp.arange(npad, dtype=jnp.int32) * 37) % N
    pad_dst = PAD_ROW + (jnp.arange(npad, dtype=jnp.int32) % (NP - PAD_ROW))
    src_ids = jnp.concatenate([edge_index[0], pad_src])
    dst_ids = jnp.concatenate([edge_index[1], pad_dst])
    dst3 = dst_ids.reshape(NS, NCH_A, K)

    degout = deg_k(dst3, ones_deg, zeros_deg)
    s0 = _tc_first(x, W0, degout)

    Ws = jnp.stack([W1, W2, jnp.zeros((D, D), jnp.float32)])
    bs = jnp.stack([r2(b0), r2(b1), r2(b2)])
    gs = jnp.stack([r2(g0), r2(g1), r2(g2)])
    bes = jnp.stack([r2(be0), r2(be1), r2(be2)])

    def layer(s_in, params):
        W_next, b, g, be = params
        acc = agg_k(s_in, src_ids, dst_ids, zeros_rows)
        h, s_next = _tc_mid(acc, s_in, degout, b, g, be, W_next)
        return s_next, h

    _, hstack = jax.lax.scan(layer, s0, (Ws, bs, gs, bes))
    return _tc_head(hstack, Wl.reshape(3, D, D), bl.reshape(1, D))

# --- scband reference (transcript-rebuilt; emitter-appended) ---
"""Pipeline reference for scband-jkexpert-2310692405504 (READ-ONLY COPY).

The authoritative reference and input builder live on the scoring server;
editing this copy changes nothing except your own understanding.
"""

import jax, jax.numpy as jnp
import numpy as np

N = 10000
E = 320000
D = 128
H = 128
O = 128
NLAYER = 3
EPS = 1e-5


def _init_w(key, fan_in, shape):
    return jax.random.uniform(key, shape, jnp.float32, -1.0, 1.0) / np.sqrt(fan_in)


def setup_inputs(seed: int = 0):
    key = jax.random.key(seed)
    ks = jax.random.split(key, 20)
    inp = {}
    inp["x"] = jax.random.normal(ks[0], (N, D), dtype=jnp.float32)
    inp["edge_index"] = jax.random.randint(ks[1], (2, E), 0, N, dtype=jnp.int32)
    dims = [(D, H), (H, H), (H, H)]
    for i, (fi, fo) in enumerate(dims):
        inp[f"W{i}"] = _init_w(ks[2 + 4 * i], fi, (fi, fo))
        inp[f"b{i}"] = jnp.zeros((fo,), jnp.float32)
        inp[f"g{i}"] = jnp.ones((fo,), jnp.float32)
        inp[f"be{i}"] = jnp.zeros((fo,), jnp.float32)
    inp["Wl"] = _init_w(ks[15], NLAYER * H, (NLAYER * H, O))
    inp["bl"] = jnp.zeros((O,), jnp.float32)
    return inp


def _forward(x, edge_index, Ws, bs, gs, bes, Wl, bl):
    # GCNConv semantics: add self-loops, symmetric degree normalization,
    # h = D^{-1/2} A_hat D^{-1/2} (x @ W) + bias
    src0 = edge_index[0]
    dst0 = edge_index[1]
    loop = jnp.arange(N, dtype=src0.dtype)
    src = jnp.concatenate([src0, loop])
    dst = jnp.concatenate([dst0, loop])
    deg = jnp.zeros((N,), jnp.float32).at[dst].add(1.0)
    dis = jnp.where(deg > 0, jax.lax.rsqrt(jnp.maximum(deg, 1e-12)), 0.0)
    norm = dis[src] * dis[dst]
    # BatchNorm1d in eval mode with default running stats (mean=0, var=1)
    bn_scale = 1.0 / np.sqrt(1.0 + EPS)
    h = x
    hs = []
    for W, b, g, be in zip(Ws, bs, gs, bes):
        hw = h @ W
        msg = hw[src] * norm[:, None]
        agg = jnp.zeros((N, hw.shape[1]), hw.dtype).at[dst].add(msg)
        h = agg + b
        h = h * (g * bn_scale) + be
        h = jax.nn.relu(h)
        # dropout is identity in eval mode
        hs.append(h)
    return jnp.concatenate(hs, axis=1) @ Wl + bl


def reference(x, edge_index, W0, b0, g0, be0, W1, b1, g1, be1, W2, b2, g2, be2, Wl, bl):
    return _forward(x, edge_index, [W0, W1, W2], [b0, b1, b2], [g0, g1, g2], [be0, be1, be2], Wl, bl)

if __name__ == "__main__":
    import jax
    _d = setup_inputs()
    print(jax.jit(kernel)(*tuple(_d.values())))

</pallas_src>

<mosaic_0001>
#map = affine_map<(d0, d1) -> (0, 0)>
#map1 = affine_map<(d0, d1) -> (0)>
#map2 = affine_map<(d0, d1) -> (0, 0, 0)>
module attributes {stable_mosaic.version = 14 : i64} {
  func.func @agg(%arg0: i32, %arg1: i32, %arg2: memref<10000x128xf32, #tpu.memory_space<hbm>>, %arg3: memref<327680xi32, #tpu.memory_space<hbm>>, %arg4: memref<327680xi32, #tpu.memory_space<hbm>>, %arg5: memref<640x128xf32, #tpu.memory_space<hbm>>, %arg6: memref<2x10240x128xf32, #tpu.memory_space<hbm>>, %arg7: memref<10240x128xf32, #tpu.memory_space<vmem_shared>>, %arg8: memref<128xi32, #tpu.memory_space<vmem>>, %arg9: memref<128xi32, #tpu.memory_space<vmem>>, %arg10: memref<128xi32, #tpu.memory_space<vmem>>, %arg11: memref<128xi32, #tpu.memory_space<vmem>>, %arg12: memref<128xi32, #tpu.memory_space<vmem>>, %arg13: memref<128xi32, #tpu.memory_space<vmem>>, %arg14: memref<128xi32, #tpu.memory_space<vmem>>, %arg15: memref<128xi32, #tpu.memory_space<vmem>>, %arg16: memref<128x128xf32, #tpu.memory_space<vmem>>, %arg17: memref<128x128xf32, #tpu.memory_space<vmem>>, %arg18: memref<!tpu.dma_semaphore, #tpu.memory_space<semaphore_mem>>, %arg19: memref<!tpu.dma_semaphore, #tpu.memory_space<semaphore_mem>>, %arg20: memref<!tpu.dma_semaphore, #tpu.memory_space<semaphore_mem>>, %arg21: memref<!tpu.dma_semaphore, #tpu.memory_space<semaphore_mem>>, %arg22: memref<!tpu.dma_semaphore, #tpu.memory_space<semaphore_mem>>, %arg23: memref<!tpu.dma_semaphore, #tpu.memory_space<semaphore_mem>>, %arg24: memref<!tpu.dma_semaphore, #tpu.memory_space<semaphore_mem>>, %arg25: memref<!tpu.dma_semaphore, #tpu.memory_space<semaphore_mem>>, %arg26: memref<!tpu.dma_semaphore, #tpu.memory_space<semaphore_mem>>, %arg27: memref<!tpu.dma_semaphore, #tpu.memory_space<semaphore_mem>>) attributes {dimension_semantics = [#tpu.dimension_semantics<core_parallel>, #tpu.dimension_semantics<subcore_parallel>], iteration_bounds = array<i64: 2, 16>, scalar_prefetch = 0 : i64, scratch_operands = 21 : i64, tpu.core_type = #tpu.core_type<sc_vector_subcore>, window_params = [{transform_indices = #map}, {transform_indices = #map1}, {transform_indices = #map1}, {transform_indices = #map}, {transform_indices = #map2}]} {
    %mul3A = arith.constant 16 : i32
    %mul3A_0 = arith.muli %arg0, %mul3A : i32
    %add3A = arith.addi %mul3A_0, %arg1 : i32
    %mul3A_1 = arith.constant 10240 : i32
    %mul3A_2 = arith.muli %add3A, %mul3A_1 : i32
    %mul3A_3 = arith.constant 640 : i32
    %mul3A_4 = arith.muli %arg1, %mul3A_3 : i32
    "tpu.region"() ({
      %run_scoped3A = tpu.sem_alloc : memref<!tpu.dma_semaphore, #tpu.memory_space<semaphore_mem>>
      %dma_start3A_31 = arith.constant 0 : i32
      %dma_start3A_32 = tpu.memref_slice %arg7[%mul3A_4, %dma_start3A_31] : memref<10240x128xf32, #tpu.memory_space<vmem_shared>> -> memref<640x128xf32, #tpu.memory_space<vmem_shared>>
      tpu.enqueue_dma source(%arg5 : memref<640x128xf32, #tpu.memory_space<hbm>>) target(%dma_start3A_32 : memref<640x128xf32, #tpu.memory_space<vmem_shared>>) target_semaphore(%run_scoped3A : memref<!tpu.dma_semaphore, #tpu.memory_space<semaphore_mem>>)
      %dma_wait3A_33 = arith.constant 0 : i32
      %dma_wait3A_34 = tpu.memref_slice %arg7[%mul3A_4, %dma_wait3A_33] : memref<10240x128xf32, #tpu.memory_space<vmem_shared>> -> memref<640x128xf32, #tpu.memory_space<vmem_shared>>
      tpu.wait_dma2 semaphore(%run_scoped3A : memref<!tpu.dma_semaphore, #tpu.memory_space<semaphore_mem>>) src(%arg5 : memref<640x128xf32, #tpu.memory_space<hbm>>) dst(%dma_wait3A_34 : memref<640x128xf32, #tpu.memory_space<vmem_shared>>)
      tpu.yield
    }) : () -> ()
    %barrier3A = arith.constant 0 : index
    tpu.barrier barrier_id(%barrier3A)
    %add3A_5 = arith.constant 0 : i32
    %add3A_6 = arith.addi %mul3A_2, %add3A_5 : i32
    %dma_start3A = tpu.memref_slice %arg3[%add3A_6] : memref<327680xi32, #tpu.memory_space<hbm>> -> memref<128xi32, #tpu.memory_space<hbm>>
    %dma_start3A_7 = tpu.memref_slice %arg3[%add3A_6] : memref<327680xi32, #tpu.memory_space<hbm>> -> memref<128xi32, #tpu.memory_space<hbm>>
    tpu.enqueue_dma source(%dma_start3A_7 : memref<128xi32, #tpu.memory_space<hbm>>) target(%arg8 : memref<128xi32, #tpu.memory_space<vmem>>) target_semaphore(%arg18 : memref<!tpu.dma_semaphore, #tpu.memory_space<semaphore_mem>>)
    %dma_start3A_8 = tpu.memref_slice %arg4[%add3A_6] : memref<327680xi32, #tpu.memory_space<hbm>> -> memref<128xi32, #tpu.memory_space<hbm>>
    %dma_start3A_9 = tpu.memref_slice %arg4[%add3A_6] : memref<327680xi32, #tpu.memory_space<hbm>> -> memref<128xi32, #tpu.memory_space<hbm>>
    tpu.enqueue_dma source(%dma_start3A_9 : memref<128xi32, #tpu.memory_space<hbm>>) target(%arg12 : memref<128xi32, #tpu.memory_space<vmem>>) target_semaphore(%arg18 : memref<!tpu.dma_semaphore, #tpu.memory_space<semaphore_mem>>)
    %add3A_10 = arith.constant 128 : i32
    %add3A_11 = arith.addi %mul3A_2, %add3A_10 : i32
    %dma_start3A_12 = tpu.memref_slice %arg3[%add3A_11] : memref<327680xi32, #tpu.memory_space<hbm>> -> memref<128xi32, #tpu.memory_space<hbm>>
    %dma_start3A_13 = tpu.memref_slice %arg3[%add3A_11] : memref<327680xi32, #tpu.memory_space<hbm>> -> memref<128xi32, #tpu.memory_space<hbm>>
    tpu.enqueue_dma source(%dma_start3A_13 : memref<128xi32, #tpu.memory_space<hbm>>) target(%arg9 : memref<128xi32, #tpu.memory_space<vmem>>) target_semaphore(%arg19 : memref<!tpu.dma_semaphore, #tpu.memory_space<semaphore_mem>>)
    %dma_start3A_14 = tpu.memref_slice %arg4[%add3A_11] : memref<327680xi32, #tpu.memory_space<hbm>> -> memref<128xi32, #tpu.memory_space<hbm>>
    %dma_start3A_15 = tpu.memref_slice %arg4[%add3A_11] : memref<327680xi32, #tpu.memory_space<hbm>> -> memref<128xi32, #tpu.memory_space<hbm>>
    tpu.enqueue_dma source(%dma_start3A_15 : memref<128xi32, #tpu.memory_space<hbm>>) target(%arg13 : memref<128xi32, #tpu.memory_space<vmem>>) target_semaphore(%arg19 : memref<!tpu.dma_semaphore, #tpu.memory_space<semaphore_mem>>)
    %scan3A = arith.constant 0 : i32
    %scan3A_16 = arith.constant 0 : i32
    %scan3A_17 = arith.constant 20 : i32
    %scan3A_18 = arith.addi %scan3A_16, %scan3A_17 : i32
    %scan3A_19 = arith.constant 1 : i32
    scf.for %scan3A_31 = %scan3A_16 to %scan3A_18 step %scan3A_19  : i32 {
      %mul3A_32 = arith.constant 4 : i32
      %mul3A_33 = arith.muli %mul3A_32, %scan3A_31 : i32
      %add3A_34 = arith.constant 0 : i32
      %add3A_35 = arith.addi %mul3A_33, %add3A_34 : i32
      %ge3A = arith.constant 2 : i32
      %ge3A_36 = arith.cmpi sge, %add3A_35, %ge3A : i32
      %convert_element_type3A = arith.extui %ge3A_36 : i1 to i32
      %cond3A = arith.constant 0 : i32
      %cond3A_37 = arith.cmpi ne, %convert_element_type3A, %cond3A : i32
      scf.if %cond3A_37 {
        %dma_wait3A_156 = arith.constant 0 : i32
        %dma_wait3A_157 = arith.constant 0 : i32
        %dma_wait3A_158 = tpu.memref_slice %arg7[%dma_wait3A_156, %dma_wait3A_157] : memref<10240x128xf32, #tpu.memory_space<vmem_shared>> -> memref<10240x128xf32, #tpu.memory_space<vmem_shared>>
        tpu.wait_indirect_dma semaphore(%arg26 : memref<!tpu.dma_semaphore, #tpu.memory_space<semaphore_mem>>) src(%arg16 : memref<128x128xf32, #tpu.memory_space<vmem>>) dst(%dma_wait3A_158 : memref<10240x128xf32, #tpu.memory_space<vmem_shared>>)
      } else {
      }
      %add3A_38 = arith.constant 2 : i32
      %add3A_39 = arith.addi %add3A_35, %add3A_38 : i32
      %lt3A = arith.constant 80 : i32
      %lt3A_40 = arith.cmpi slt, %add3A_39, %lt3A : i32
      %convert_element_type3A_41 = arith.extui %lt3A_40 : i1 to i32
      %cond3A_42 = arith.constant 0 : i32
      %cond3A_43 = arith.cmpi ne, %convert_element_type3A_41, %cond3A_42 : i32
      scf.if %cond3A_43 {
        %add3A_156 = arith.constant 2 : i32
        %add3A_157 = arith.addi %add3A_35, %add3A_156 : i32
        %mul3A_158 = arith.constant 128 : i32
        %mul3A_159 = arith.muli %add3A_157, %mul3A_158 : i32
        %add3A_160 = arith.addi %mul3A_2, %mul3A_159 : i32
        %dma_start3A_161 = tpu.memref_slice %arg3[%add3A_160] : memref<327680xi32, #tpu.memory_space<hbm>> -> memref<128xi32, #tpu.memory_space<hbm>>
        %dma_start3A_162 = tpu.memref_slice %arg3[%add3A_160] : memref<327680xi32, #tpu.memory_space<hbm>> -> memref<128xi32, #tpu.memory_space<hbm>>
        tpu.enqueue_dma source(%dma_start3A_162 : memref<128xi32, #tpu.memory_space<hbm>>) target(%arg10 : memref<128xi32, #tpu.memory_space<vmem>>) target_semaphore(%arg20 : memref<!tpu.dma_semaphore, #tpu.memory_space<semaphore_mem>>)
        %dma_start3A_163 = tpu.memref_slice %arg4[%add3A_160] : memref<327680xi32, #tpu.memory_space<hbm>> -> memref<128xi32, #tpu.memory_space<hbm>>
        %dma_start3A_164 = tpu.memref_slice %arg4[%add3A_160] : memref<327680xi32, #tpu.memory_space<hbm>> -> memref<128xi32, #tpu.memory_space<hbm>>
        tpu.enqueue_dma source(%dma_start3A_164 : memref<128xi32, #tpu.memory_space<hbm>>) target(%arg14 : memref<128xi32, #tpu.memory_space<vmem>>) target_semaphore(%arg20 : memref<!tpu.dma_semaphore, #tpu.memory_space<semaphore_mem>>)
      } else {
      }
      %mul3A_44 = arith.constant 128 : i32
      %mul3A_45 = arith.muli %add3A_35, %mul3A_44 : i32
      %add3A_46 = arith.addi %mul3A_2, %mul3A_45 : i32
      %dma_wait3A_47 = tpu.memref_slice %arg3[%add3A_46] : memref<327680xi32, #tpu.memory_space<hbm>> -> memref<128xi32, #tpu.memory_space<hbm>>
      %dma_wait3A_48 = tpu.memref_slice %arg3[%add3A_46] : memref<327680xi32, #tpu.memory_space<hbm>> -> memref<128xi32, #tpu.memory_space<hbm>>
      tpu.wait_dma2 semaphore(%arg18 : memref<!tpu.dma_semaphore, #tpu.memory_space<semaphore_mem>>) src(%dma_wait3A_48 : memref<128xi32, #tpu.memory_space<hbm>>) dst(%arg8 : memref<128xi32, #tpu.memory_space<vmem>>)
      %dma_wait3A_49 = tpu.memref_slice %arg4[%add3A_46] : memref<327680xi32, #tpu.memory_space<hbm>> -> memref<128xi32, #tpu.memory_space<hbm>>
      %dma_wait3A_50 = tpu.memref_slice %arg4[%add3A_46] : memref<327680xi32, #tpu.memory_space<hbm>> -> memref<128xi32, #tpu.memory_space<hbm>>
      tpu.wait_dma2 semaphore(%arg18 : memref<!tpu.dma_semaphore, #tpu.memory_space<semaphore_mem>>) src(%dma_wait3A_50 : memref<128xi32, #tpu.memory_space<hbm>>) dst(%arg12 : memref<128xi32, #tpu.memory_space<vmem>>)
      %dma_start3A_51 = arith.constant 0 : i32
      %dma_start3A_52 = arith.constant 0 : i32
      %dma_start3A_53 = tpu.memref_slice %arg2[%dma_start3A_51, %dma_start3A_52] : memref<10000x128xf32, #tpu.memory_space<hbm>> -> memref<10000x128xf32, #tpu.memory_space<hbm>>
      tpu.enqueue_indirect_dma source(%dma_start3A_53 : memref<10000x128xf32, #tpu.memory_space<hbm>>) target(%arg16 : memref<128x128xf32, #tpu.memory_space<vmem>>) offsets(%arg8 : memref<128xi32, #tpu.memory_space<vmem>>) semaphore(%arg22 : memref<!tpu.dma_semaphore, #tpu.memory_space<semaphore_mem>>)
      %dma_wait3A_54 = arith.constant 0 : i32
      %dma_wait3A_55 = arith.constant 0 : i32
      %dma_wait3A_56 = tpu.memref_slice %arg2[%dma_wait3A_54, %dma_wait3A_55] : memref<10000x128xf32, #tpu.memory_space<hbm>> -> memref<10000x128xf32, #tpu.memory_space<hbm>>
      tpu.wait_indirect_dma semaphore(%arg22 : memref<!tpu.dma_semaphore, #tpu.memory_space<semaphore_mem>>) src(%dma_wait3A_56 : memref<10000x128xf32, #tpu.memory_space<hbm>>) dst(%arg16 : memref<128x128xf32, #tpu.memory_space<vmem>>)
      %dma_start3A_57 = arith.constant 0 : i32
      %dma_start3A_58 = arith.constant 0 : i32
      %dma_start3A_59 = tpu.memref_slice %arg7[%dma_start3A_57, %dma_start3A_58] : memref<10240x128xf32, #tpu.memory_space<vmem_shared>> -> memref<10240x128xf32, #tpu.memory_space<vmem_shared>>
      tpu.enqueue_indirect_dma source(%arg16 : memref<128x128xf32, #tpu.memory_space<vmem>>) target(%dma_start3A_59 : memref<10240x128xf32, #tpu.memory_space<vmem_shared>>) offsets(%arg12 : memref<128xi32, #tpu.memory_space<vmem>>) semaphore(%arg24 : memref<!tpu.dma_semaphore, #tpu.memory_space<semaphore_mem>>) {add = true}
      %mul3A_60 = arith.constant 4 : i32
      %mul3A_61 = arith.muli %mul3A_60, %scan3A_31 : i32
      %add3A_62 = arith.constant 1 : i32
      %add3A_63 = arith.addi %mul3A_61, %add3A_62 : i32
      %ge3A_64 = arith.constant 2 : i32
      %ge3A_65 = arith.cmpi sge, %add3A_63, %ge3A_64 : i32
      %convert_element_type3A_66 = arith.extui %ge3A_65 : i1 to i32
      %cond3A_67 = arith.constant 0 : i32
      %cond3A_68 = arith.cmpi ne, %convert_element_type3A_66, %cond3A_67 : i32
      scf.if %cond3A_68 {
        %dma_wait3A_156 = arith.constant 0 : i32
        %dma_wait3A_157 = arith.constant 0 : i32
        %dma_wait3A_158 = tpu.memref_slice %arg7[%dma_wait3A_156, %dma_wait3A_157] : memref<10240x128xf32, #tpu.memory_space<vmem_shared>> -> memref<10240x128xf32, #tpu.memory_space<vmem_shared>>
        tpu.wait_indirect_dma semaphore(%arg27 : memref<!tpu.dma_semaphore, #tpu.memory_space<semaphore_mem>>) src(%arg17 : memref<128x128xf32, #tpu.memory_space<vmem>>) dst(%dma_wait3A_158 : memref<10240x128xf32, #tpu.memory_space<vmem_shared>>)
      } else {
      }
      %add3A_69 = arith.constant 2 : i32
      %add3A_70 = arith.addi %add3A_63, %add3A_69 : i32
      %lt3A_71 = arith.constant 80 : i32
      %lt3A_72 = arith.cmpi slt, %add3A_70, %lt3A_71 : i32
      %convert_element_type3A_73 = arith.extui %lt3A_72 : i1 to i32
      %cond3A_74 = arith.constant 0 : i32
      %cond3A_75 = arith.cmpi ne, %convert_element_type3A_73, %cond3A_74 : i32
      scf.if %cond3A_75 {
        %add3A_156 = arith.constant 2 : i32
        %add3A_157 = arith.addi %add3A_63, %add3A_156 : i32
        %mul3A_158 = arith.constant 128 : i32
        %mul3A_159 = arith.muli %add3A_157, %mul3A_158 : i32
        %add3A_160 = arith.addi %mul3A_2, %mul3A_159 : i32
        %dma_start3A_161 = tpu.memref_slice %arg3[%add3A_160] : memref<327680xi32, #tpu.memory_space<hbm>> -> memref<128xi32, #tpu.memory_space<hbm>>
        %dma_start3A_162 = tpu.memref_slice %arg3[%add3A_160] : memref<327680xi32, #tpu.memory_space<hbm>> -> memref<128xi32, #tpu.memory_space<hbm>>
        tpu.enqueue_dma source(%dma_start3A_162 : memref<128xi32, #tpu.memory_space<hbm>>) target(%arg11 : memref<128xi32, #tpu.memory_space<vmem>>) target_semaphore(%arg21 : memref<!tpu.dma_semaphore, #tpu.memory_space<semaphore_mem>>)
        %dma_start3A_163 = tpu.memref_slice %arg4[%add3A_160] : memref<327680xi32, #tpu.memory_space<hbm>> -> memref<128xi32, #tpu.memory_space<hbm>>
        %dma_start3A_164 = tpu.memref_slice %arg4[%add3A_160] : memref<327680xi32, #tpu.memory_space<hbm>> -> memref<128xi32, #tpu.memory_space<hbm>>
        tpu.enqueue_dma source(%dma_start3A_164 : memref<128xi32, #tpu.memory_space<hbm>>) target(%arg15 : memref<128xi32, #tpu.memory_space<vmem>>) target_semaphore(%arg21 : memref<!tpu.dma_semaphore, #tpu.memory_space<semaphore_mem>>)
      } else {
      }
      %mul3A_76 = arith.constant 128 : i32
      %mul3A_77 = arith.muli %add3A_63, %mul3A_76 : i32
      %add3A_78 = arith.addi %mul3A_2, %mul3A_77 : i32
      %dma_wait3A_79 = tpu.memref_slice %arg3[%add3A_78] : memref<327680xi32, #tpu.memory_space<hbm>> -> memref<128xi32, #tpu.memory_space<hbm>>
      %dma_wait3A_80 = tpu.memref_slice %arg3[%add3A_78] : memref<327680xi32, #tpu.memory_space<hbm>> -> memref<128xi32, #tpu.memory_space<hbm>>
      tpu.wait_dma2 semaphore(%arg19 : memref<!tpu.dma_semaphore, #tpu.memory_space<semaphore_mem>>) src(%dma_wait3A_80 : memref<128xi32, #tpu.memory_space<hbm>>) dst(%arg9 : memref<128xi32, #tpu.memory_space<vmem>>)
      %dma_wait3A_81 = tpu.memref_slice %arg4[%add3A_78] : memref<327680xi32, #tpu.memory_space<hbm>> -> memref<128xi32, #tpu.memory_space<hbm>>
      %dma_wait3A_82 = tpu.memref_slice %arg4[%add3A_78] : memref<327680xi32, #tpu.memory_space<hbm>> -> memref<128xi32, #tpu.memory_space<hbm>>
      tpu.wait_dma2 semaphore(%arg19 : memref<!tpu.dma_semaphore, #tpu.memory_space<semaphore_mem>>) src(%dma_wait3A_82 : memref<128xi32, #tpu.memory_space<hbm>>) dst(%arg13 : memref<128xi32, #tpu.memory_space<vmem>>)
      %dma_start3A_83 = arith.constant 0 : i32
      %dma_start3A_84 = arith.constant 0 : i32
      %dma_start3A_85 = tpu.memref_slice %arg2[%dma_start3A_83, %dma_start3A_84] : memref<10000x128xf32, #tpu.memory_space<hbm>> -> memref<10000x128xf32, #tpu.memory_space<hbm>>
      tpu.enqueue_indirect_dma source(%dma_start3A_85 : memref<10000x128xf32, #tpu.memory_space<hbm>>) target(%arg17 : memref<128x128xf32, #tpu.memory_space<vmem>>) offsets(%arg9 : memref<128xi32, #tpu.memory_space<vmem>>) semaphore(%arg23 : memref<!tpu.dma_semaphore, #tpu.memory_space<semaphore_mem>>)
      %dma_wait3A_86 = arith.constant 0 : i32
      %dma_wait3A_87 = arith.constant 0 : i32
      %dma_wait3A_88 = tpu.memref_slice %arg2[%dma_wait3A_86, %dma_wait3A_87] : memref<10000x128xf32, #tpu.memory_space<hbm>> -> memref<10000x128xf32, #tpu.memory_space<hbm>>
      tpu.wait_indirect_dma semaphore(%arg23 : memref<!tpu.dma_semaphore, #tpu.memory_space<semaphore_mem>>) src(%dma_wait3A_88 : memref<10000x128xf32, #tpu.memory_space<hbm>>) dst(%arg17 : memref<128x128xf32, #tpu.memory_space<vmem>>)
      %dma_start3A_89 = arith.constant 0 : i32
      %dma_start3A_90 = arith.constant 0 : i32
      %dma_start3A_91 = tpu.memref_slice %arg7[%dma_start3A_89, %dma_start3A_90] : memref<10240x128xf32, #tpu.memory_space<vmem_shared>> -> memref<10240x128xf32, #tpu.memory_space<vmem_shared>>
      tpu.enqueue_indirect_dma source(%arg17 : memref<128x128xf32, #tpu.memory_space<vmem>>) target(%dma_start3A_91 : memref<10240x128xf32, #tpu.memory_space<vmem_shared>>) offsets(%arg13 : memref<128xi32, #tpu.memory_space<vmem>>) semaphore(%arg25 : memref<!tpu.dma_semaphore, #tpu.memory_space<semaphore_mem>>) {add = true}
      %mul3A_92 = arith.constant 4 : i32
      %mul3A_93 = arith.muli %mul3A_92, %scan3A_31 : i32
      %add3A_94 = arith.constant 2 : i32
      %add3A_95 = arith.addi %mul3A_93, %add3A_94 : i32
      %ge3A_96 = arith.constant 2 : i32
      %ge3A_97 = arith.cmpi sge, %add3A_95, %ge3A_96 : i32
      %convert_element_type3A_98 = arith.extui %ge3A_97 : i1 to i32
      %cond3A_99 = arith.constant 0 : i32
      %cond3A_100 = arith.cmpi ne, %convert_element_type3A_98, %cond3A_99 : i32
      scf.if %cond3A_100 {
        %dma_wait3A_156 = arith.constant 0 : i32
        %dma_wait3A_157 = arith.constant 0 : i32
        %dma_wait3A_158 = tpu.memref_slice %arg7[%dma_wait3A_156, %dma_wait3A_157] : memref<10240x128xf32, #tpu.memory_space<vmem_shared>> -> memref<10240x128xf32, #tpu.memory_space<vmem_shared>>
        tpu.wait_indirect_dma semaphore(%arg24 : memref<!tpu.dma_semaphore, #tpu.memory_space<semaphore_mem>>) src(%arg16 : memref<128x128xf32, #tpu.memory_space<vmem>>) dst(%dma_wait3A_158 : memref<10240x128xf32, #tpu.memory_space<vmem_shared>>)
      } else {
      }
      %add3A_101 = arith.constant 2 : i32
      %add3A_102 = arith.addi %add3A_95, %add3A_101 : i32
      %lt3A_103 = arith.constant 80 : i32
      %lt3A_104 = arith.cmpi slt, %add3A_102, %lt3A_103 : i32
      %convert_element_type3A_105 = arith.extui %lt3A_104 : i1 to i32
      %cond3A_106 = arith.constant 0 : i32
      %cond3A_107 = arith.cmpi ne, %convert_element_type3A_105, %cond3A_106 : i32
      scf.if %cond3A_107 {
        %add3A_156 = arith.constant 2 : i32
        %add3A_157 = arith.addi %add3A_95, %add3A_156 : i32
        %mul3A_158 = arith.constant 128 : i32
        %mul3A_159 = arith.muli %add3A_157, %mul3A_158 : i32
        %add3A_160 = arith.addi %mul3A_2, %mul3A_159 : i32
        %dma_start3A_161 = tpu.memref_slice %arg3[%add3A_160] : memref<327680xi32, #tpu.memory_space<hbm>> -> memref<128xi32, #tpu.memory_space<hbm>>
        %dma_start3A_162 = tpu.memref_slice %arg3[%add3A_160] : memref<327680xi32, #tpu.memory_space<hbm>> -> memref<128xi32, #tpu.memory_space<hbm>>
        tpu.enqueue_dma source(%dma_start3A_162 : memref<128xi32, #tpu.memory_space<hbm>>) target(%arg8 : memref<128xi32, #tpu.memory_space<vmem>>) target_semaphore(%arg18 : memref<!tpu.dma_semaphore, #tpu.memory_space<semaphore_mem>>)
        %dma_start3A_163 = tpu.memref_slice %arg4[%add3A_160] : memref<327680xi32, #tpu.memory_space<hbm>> -> memref<128xi32, #tpu.memory_space<hbm>>
        %dma_start3A_164 = tpu.memref_slice %arg4[%add3A_160] : memref<327680xi32, #tpu.memory_space<hbm>> -> memref<128xi32, #tpu.memory_space<hbm>>
        tpu.enqueue_dma source(%dma_start3A_164 : memref<128xi32, #tpu.memory_space<hbm>>) target(%arg12 : memref<128xi32, #tpu.memory_space<vmem>>) target_semaphore(%arg18 : memref<!tpu.dma_semaphore, #tpu.memory_space<semaphore_mem>>)
      } else {
      }
      %mul3A_108 = arith.constant 128 : i32
      %mul3A_109 = arith.muli %add3A_95, %mul3A_108 : i32
      %add3A_110 = arith.addi %mul3A_2, %mul3A_109 : i32
      %dma_wait3A_111 = tpu.memref_slice %arg3[%add3A_110] : memref<327680xi32, #tpu.memory_space<hbm>> -> memref<128xi32, #tpu.memory_space<hbm>>
      %dma_wait3A_112 = tpu.memref_slice %arg3[%add3A_110] : memref<327680xi32, #tpu.memory_space<hbm>> -> memref<128xi32, #tpu.memory_space<hbm>>
      tpu.wait_dma2 semaphore(%arg20 : memref<!tpu.dma_semaphore, #tpu.memory_space<semaphore_mem>>) src(%dma_wait3A_112 : memref<128xi32, #tpu.memory_space<hbm>>) dst(%arg10 : memref<128xi32, #tpu.memory_space<vmem>>)
      %dma_wait3A_113 = tpu.memref_slice %arg4[%add3A_110] : memref<327680xi32, #tpu.memory_space<hbm>> -> memref<128xi32, #tpu.memory_space<hbm>>
      %dma_wait3A_114 = tpu.memref_slice %arg4[%add3A_110] : memref<327680xi32, #tpu.memory_space<hbm>> -> memref<128xi32, #tpu.memory_space<hbm>>
      tpu.wait_dma2 semaphore(%arg20 : memref<!tpu.dma_semaphore, #tpu.memory_space<semaphore_mem>>) src(%dma_wait3A_114 : memref<128xi32, #tpu.memory_space<hbm>>) dst(%arg14 : memref<128xi32, #tpu.memory_space<vmem>>)
      %dma_start3A_115 = arith.constant 0 : i32
      %dma_start3A_116 = arith.constant 0 : i32
      %dma_start3A_117 = tpu.memref_slice %arg2[%dma_start3A_115, %dma_start3A_116] : memref<10000x128xf32, #tpu.memory_space<hbm>> -> memref<10000x128xf32, #tpu.memory_space<hbm>>
      tpu.enqueue_indirect_dma source(%dma_start3A_117 : memref<10000x128xf32, #tpu.memory_space<hbm>>) target(%arg16 : memref<128x128xf32, #tpu.memory_space<vmem>>) offsets(%arg10 : memref<128xi32, #tpu.memory_space<vmem>>) semaphore(%arg22 : memref<!tpu.dma_semaphore, #tpu.memory_space<semaphore_mem>>)
      %dma_wait3A_118 = arith.constant 0 : i32
      %dma_wait3A_119 = arith.constant 0 : i32
      %dma_wait3A_120 = tpu.memref_slice %arg2[%dma_wait3A_118, %dma_wait3A_119] : memref<10000x128xf32, #tpu.memory_space<hbm>> -> memref<10000x128xf32, #tpu.memory_space<hbm>>
      tpu.wait_indirect_dma semaphore(%arg22 : memref<!tpu.dma_semaphore, #tpu.memory_space<semaphore_mem>>) src(%dma_wait3A_120 : memref<10000x128xf32, #tpu.memory_space<hbm>>) dst(%arg16 : memref<128x128xf32, #tpu.memory_space<vmem>>)
      %dma_start3A_121 = arith.constant 0 : i32
      %dma_start3A_122 = arith.constant 0 : i32
      %dma_start3A_123 = tpu.memref_slice %arg7[%dma_start3A_121, %dma_start3A_122] : memref<10240x128xf32, #tpu.memory_space<vmem_shared>> -> memref<10240x128xf32, #tpu.memory_space<vmem_shared>>
      tpu.enqueue_indirect_dma source(%arg16 : memref<128x128xf32, #tpu.memory_space<vmem>>) target(%dma_start3A_123 : memref<10240x128xf32, #tpu.memory_space<vmem_shared>>) offsets(%arg14 : memref<128xi32, #tpu.memory_space<vmem>>) semaphore(%arg26 : memref<!tpu.dma_semaphore, #tpu.memory_space<semaphore_mem>>) {add = true}
      %mul3A_124 = arith.constant 4 : i32
      %mul3A_125 = arith.muli %mul3A_124, %scan3A_31 : i32
      %add3A_126 = arith.constant 3 : i32
      %add3A_127 = arith.addi %mul3A_125, %add3A_126 : i32
      %ge3A_128 = arith.constant 2 : i32
      %ge3A_129 = arith.cmpi sge, %add3A_127, %ge3A_128 : i32
      %convert_element_type3A_130 = arith.extui %ge3A_129 : i1 to i32
      %cond3A_131 = arith.constant 0 : i32
      %cond3A_132 = arith.cmpi ne, %convert_element_type3A_130, %cond3A_131 : i32
      scf.if %cond3A_132 {
        %dma_wait3A_156 = arith.constant 0 : i32
        %dma_wait3A_157 = arith.constant 0 : i32
        %dma_wait3A_158 = tpu.memref_slice %arg7[%dma_wait3A_156, %dma_wait3A_157] : memref<10240x128xf32, #tpu.memory_space<vmem_shared>> -> memref<10240x128xf32, #tpu.memory_space<vmem_shared>>
        tpu.wait_indirect_dma semaphore(%arg25 : memref<!tpu.dma_semaphore, #tpu.memory_space<semaphore_mem>>) src(%arg17 : memref<128x128xf32, #tpu.memory_space<vmem>>) dst(%dma_wait3A_158 : memref<10240x128xf32, #tpu.memory_space<vmem_shared>>)
      } else {
      }
      %add3A_133 = arith.constant 2 : i32
      %add3A_134 = arith.addi %add3A_127, %add3A_133 : i32
      %lt3A_135 = arith.constant 80 : i32
      %lt3A_136 = arith.cmpi slt, %add3A_134, %lt3A_135 : i32
      %convert_element_type3A_137 = arith.extui %lt3A_136 : i1 to i32
      %cond3A_138 = arith.constant 0 : i32
      %cond3A_139 = arith.cmpi ne, %convert_element_type3A_137, %cond3A_138 : i32
      scf.if %cond3A_139 {
        %add3A_156 = arith.constant 2 : i32
        %add3A_157 = arith.addi %add3A_127, %add3A_156 : i32
        %mul3A_158 = arith.constant 128 : i32
        %mul3A_159 = arith.muli %add3A_157, %mul3A_158 : i32
        %add3A_160 = arith.addi %mul3A_2, %mul3A_159 : i32
        %dma_start3A_161 = tpu.memref_slice %arg3[%add3A_160] : memref<327680xi32, #tpu.memory_space<hbm>> -> memref<128xi32, #tpu.memory_space<hbm>>
        %dma_start3A_162 = tpu.memref_slice %arg3[%add3A_160] : memref<327680xi32, #tpu.memory_space<hbm>> -> memref<128xi32, #tpu.memory_space<hbm>>
        tpu.enqueue_dma source(%dma_start3A_162 : memref<128xi32, #tpu.memory_space<hbm>>) target(%arg9 : memref<128xi32, #tpu.memory_space<vmem>>) target_semaphore(%arg19 : memref<!tpu.dma_semaphore, #tpu.memory_space<semaphore_mem>>)
        %dma_start3A_163 = tpu.memref_slice %arg4[%add3A_160] : memref<327680xi32, #tpu.memory_space<hbm>> -> memref<128xi32, #tpu.memory_space<hbm>>
        %dma_start3A_164 = tpu.memref_slice %arg4[%add3A_160] : memref<327680xi32, #tpu.memory_space<hbm>> -> memref<128xi32, #tpu.memory_space<hbm>>
        tpu.enqueue_dma source(%dma_start3A_164 : memref<128xi32, #tpu.memory_space<hbm>>) target(%arg13 : memref<128xi32, #tpu.memory_space<vmem>>) target_semaphore(%arg19 : memref<!tpu.dma_semaphore, #tpu.memory_space<semaphore_mem>>)
      } else {
      }
      %mul3A_140 = arith.constant 128 : i32
      %mul3A_141 = arith.muli %add3A_127, %mul3A_140 : i32
      %add3A_142 = arith.addi %mul3A_2, %mul3A_141 : i32
      %dma_wait3A_143 = tpu.memref_slice %arg3[%add3A_142] : memref<327680xi32, #tpu.memory_space<hbm>> -> memref<128xi32, #tpu.memory_space<hbm>>
      %dma_wait3A_144 = tpu.memref_slice %arg3[%add3A_142] : memref<327680xi32, #tpu.memory_space<hbm>> -> memref<128xi32, #tpu.memory_space<hbm>>
      tpu.wait_dma2 semaphore(%arg21 : memref<!tpu.dma_semaphore, #tpu.memory_space<semaphore_mem>>) src(%dma_wait3A_144 : memref<128xi32, #tpu.memory_space<hbm>>) dst(%arg11 : memref<128xi32, #tpu.memory_space<vmem>>)
      %dma_wait3A_145 = tpu.memref_slice %arg4[%add3A_142] : memref<327680xi32, #tpu.memory_space<hbm>> -> memref<128xi32, #tpu.memory_space<hbm>>
      %dma_wait3A_146 = tpu.memref_slice %arg4[%add3A_142] : memref<327680xi32, #tpu.memory_space<hbm>> -> memref<128xi32, #tpu.memory_space<hbm>>
      tpu.wait_dma2 semaphore(%arg21 : memref<!tpu.dma_semaphore, #tpu.memory_space<semaphore_mem>>) src(%dma_wait3A_146 : memref<128xi32, #tpu.memory_space<hbm>>) dst(%arg15 : memref<128xi32, #tpu.memory_space<vmem>>)
      %dma_start3A_147 = arith.constant 0 : i32
      %dma_start3A_148 = arith.constant 0 : i32
      %dma_start3A_149 = tpu.memref_slice %arg2[%dma_start3A_147, %dma_start3A_148] : memref<10000x128xf32, #tpu.memory_space<hbm>> -> memref<10000x128xf32, #tpu.memory_space<hbm>>
      tpu.enqueue_indirect_dma source(%dma_start3A_149 : memref<10000x128xf32, #tpu.memory_space<hbm>>) target(%arg17 : memref<128x128xf32, #tpu.memory_space<vmem>>) offsets(%arg11 : memref<128xi32, #tpu.memory_space<vmem>>) semaphore(%arg23 : memref<!tpu.dma_semaphore, #tpu.memory_space<semaphore_mem>>)
      %dma_wait3A_150 = arith.constant 0 : i32
      %dma_wait3A_151 = arith.constant 0 : i32
      %dma_wait3A_152 = tpu.memref_slice %arg2[%dma_wait3A_150, %dma_wait3A_151] : memref<10000x128xf32, #tpu.memory_space<hbm>> -> memref<10000x128xf32, #tpu.memory_space<hbm>>
      tpu.wait_indirect_dma semaphore(%arg23 : memref<!tpu.dma_semaphore, #tpu.memory_space<semaphore_mem>>) src(%dma_wait3A_152 : memref<10000x128xf32, #tpu.memory_space<hbm>>) dst(%arg17 : memref<128x128xf32, #tpu.memory_space<vmem>>)
      %dma_start3A_153 = arith.constant 0 : i32
      %dma_start3A_154 = arith.constant 0 : i32
      %dma_start3A_155 = tpu.memref_slice %arg7[%dma_start3A_153, %dma_start3A_154] : memref<10240x128xf32, #tpu.memory_space<vmem_shared>> -> memref<10240x128xf32, #tpu.memory_space<vmem_shared>>
      tpu.enqueue_indirect_dma source(%arg17 : memref<128x128xf32, #tpu.memory_space<vmem>>) target(%dma_start3A_155 : memref<10240x128xf32, #tpu.memory_space<vmem_shared>>) offsets(%arg15 : memref<128xi32, #tpu.memory_space<vmem>>) semaphore(%arg27 : memref<!tpu.dma_semaphore, #tpu.memory_space<semaphore_mem>>) {add = true}
    }
    %scan3A_20 = arith.constant 20 : i32
    %dma_wait3A = arith.constant 0 : i32
    %dma_wait3A_21 = arith.constant 0 : i32
    %dma_wait3A_22 = tpu.memref_slice %arg7[%dma_wait3A, %dma_wait3A_21] : memref<10240x128xf32, #tpu.memory_space<vmem_shared>> -> memref<10240x128xf32, #tpu.memory_space<vmem_shared>>
    tpu.wait_indirect_dma semaphore(%arg26 : memref<!tpu.dma_semaphore, #tpu.memory_space<semaphore_mem>>) src(%arg16 : memref<128x128xf32, #tpu.memory_space<vmem>>) dst(%dma_wait3A_22 : memref<10240x128xf32, #tpu.memory_space<vmem_shared>>)
    %dma_wait3A_23 = arith.constant 0 : i32
    %dma_wait3A_24 = arith.constant 0 : i32
    %dma_wait3A_25 = tpu.memref_slice %arg7[%dma_wait3A_23, %dma_wait3A_24] : memref<10240x128xf32, #tpu.memory_space<vmem_shared>> -> memref<10240x128xf32, #tpu.memory_space<vmem_shared>>
    tpu.wait_indirect_dma semaphore(%arg27 : memref<!tpu.dma_semaphore, #tpu.memory_space<semaphore_mem>>) src(%arg17 : memref<128x128xf32, #tpu.memory_space<vmem>>) dst(%dma_wait3A_25 : memref<10240x128xf32, #tpu.memory_space<vmem_shared>>)
    %barrier3A_26 = arith.constant 0 : index
    tpu.barrier barrier_id(%barrier3A_26)
    %mul3A_27 = arith.constant 640 : i32
    %mul3A_28 = arith.muli %arg1, %mul3A_27 : i32
    %mul3A_29 = arith.constant 640 : i32
    %mul3A_30 = arith.muli %arg1, %mul3A_29 : i32
    "tpu.region"() ({
      %run_scoped3A = tpu.sem_alloc : memref<!tpu.dma_semaphore, #tpu.memory_space<semaphore_mem>>
      %dma_start3A_31 = arith.constant 0 : i32
      %dma_start3A_32 = tpu.memref_slice %arg6[%arg0, %mul3A_30, %dma_start3A_31] : memref<2x10240x128xf32, #tpu.memory_space<hbm>> -> memref<1x640x128xf32, #tpu.memory_space<hbm>>
      %dma_start3A_33 = tpu.memref_squeeze %dma_start3A_32 : memref<1x640x128xf32, #tpu.memory_space<hbm>> -> memref<640x128xf32, #tpu.memory_space<hbm>>
      %dma_start3A_34 = arith.constant 0 : i32
      %dma_start3A_35 = tpu.memref_slice %arg7[%mul3A_28, %dma_start3A_34] : memref<10240x128xf32, #tpu.memory_space<vmem_shared>> -> memref<640x128xf32, #tpu.memory_space<vmem_shared>>
      tpu.enqueue_dma source(%dma_start3A_35 : memref<640x128xf32, #tpu.memory_space<vmem_shared>>) target(%dma_start3A_33 : memref<640x128xf32, #tpu.memory_space<hbm>>) target_semaphore(%run_scoped3A : memref<!tpu.dma_semaphore, #tpu.memory_space<semaphore_mem>>)
      %dma_wait3A_36 = arith.constant 0 : i32
      %dma_wait3A_37 = tpu.memref_slice %arg6[%arg0, %mul3A_30, %dma_wait3A_36] : memref<2x10240x128xf32, #tpu.memory_space<hbm>> -> memref<1x640x128xf32, #tpu.memory_space<hbm>>
      %dma_wait3A_38 = tpu.memref_squeeze %dma_wait3A_37 : memref<1x640x128xf32, #tpu.memory_space<hbm>> -> memref<640x128xf32, #tpu.memory_space<hbm>>
      %dma_wait3A_39 = arith.constant 0 : i32
      %dma_wait3A_40 = tpu.memref_slice %arg7[%mul3A_28, %dma_wait3A_39] : memref<10240x128xf32, #tpu.memory_space<vmem_shared>> -> memref<640x128xf32, #tpu.memory_space<vmem_shared>>
      tpu.wait_dma2 semaphore(%run_scoped3A : memref<!tpu.dma_semaphore, #tpu.memory_space<semaphore_mem>>) src(%dma_wait3A_40 : memref<640x128xf32, #tpu.memory_space<vmem_shared>>) dst(%dma_wait3A_38 : memref<640x128xf32, #tpu.memory_space<hbm>>)
      tpu.yield
    }) : () -> ()
    return
  }
}

#map = affine_map<(d0, d1) -> (0, 0, 0)>
#map1 = affine_map<(d0, d1) -> (0, 0)>
module attributes {stable_mosaic.version = 14 : i64} {
  func.func @deg(%arg0: i32, %arg1: i32, %arg2: memref<16x160x128xi32, #tpu.memory_space<hbm>>, %arg3: memref<128x16xf32, #tpu.memory_space<hbm>>, %arg4: memref<640x16xf32, #tpu.memory_space<hbm>>, %arg5: memref<2x10240x16xf32, #tpu.memory_space<hbm>>, %arg6: memref<10240x16xf32, #tpu.memory_space<vmem_shared>>, %arg7: memref<80x128xi32, #tpu.memory_space<vmem>>, %arg8: memref<128x16xf32, #tpu.memory_space<vmem>>) attributes {dimension_semantics = [#tpu.dimension_semantics<core_parallel>, #tpu.dimension_semantics<subcore_parallel>], iteration_bounds = array<i64: 2, 16>, scalar_prefetch = 0 : i64, scratch_operands = 3 : i64, tpu.core_type = #tpu.core_type<sc_vector_subcore>, window_params = [{transform_indices = #map}, {transform_indices = #map1}, {transform_indices = #map1}, {transform_indices = #map}]} {
    %mul3A = arith.constant 640 : i32
    %mul3A_0 = arith.muli %arg1, %mul3A : i32
    "tpu.region"() ({
      %run_scoped3A = tpu.sem_alloc : memref<!tpu.dma_semaphore, #tpu.memory_space<semaphore_mem>>
      %dma_start3A = arith.constant 0 : i32
      %dma_start3A_13 = tpu.memref_slice %arg6[%mul3A_0, %dma_start3A] : memref<10240x16xf32, #tpu.memory_space<vmem_shared>> -> memref<640x16xf32, #tpu.memory_space<vmem_shared>>
      tpu.enqueue_dma source(%arg4 : memref<640x16xf32, #tpu.memory_space<hbm>>) target(%dma_start3A_13 : memref<640x16xf32, #tpu.memory_space<vmem_shared>>) target_semaphore(%run_scoped3A : memref<!tpu.dma_semaphore, #tpu.memory_space<semaphore_mem>>)
      %dma_wait3A = arith.constant 0 : i32
      %dma_wait3A_14 = tpu.memref_slice %arg6[%mul3A_0, %dma_wait3A] : memref<10240x16xf32, #tpu.memory_space<vmem_shared>> -> memref<640x16xf32, #tpu.memory_space<vmem_shared>>
      tpu.wait_dma2 semaphore(%run_scoped3A : memref<!tpu.dma_semaphore, #tpu.memory_space<semaphore_mem>>) src(%arg4 : memref<640x16xf32, #tpu.memory_space<hbm>>) dst(%dma_wait3A_14 : memref<640x16xf32, #tpu.memory_space<vmem_shared>>)
      tpu.yield
    }) : () -> ()
    %mul3A_1 = arith.constant 80 : i32
    %mul3A_2 = arith.muli %arg0, %mul3A_1 : i32
    "tpu.region"() ({
      %run_scoped3A = tpu.sem_alloc : memref<!tpu.dma_semaphore, #tpu.memory_space<semaphore_mem>>
      %dma_start3A = arith.constant 0 : i32
      %dma_start3A_13 = tpu.memref_slice %arg2[%arg1, %mul3A_2, %dma_start3A] : memref<16x160x128xi32, #tpu.memory_space<hbm>> -> memref<1x80x128xi32, #tpu.memory_space<hbm>>
      %dma_start3A_14 = tpu.memref_squeeze %dma_start3A_13 : memref<1x80x128xi32, #tpu.memory_space<hbm>> -> memref<80x128xi32, #tpu.memory_space<hbm>>
      %dma_start3A_15 = arith.constant 0 : i32
      %dma_start3A_16 = tpu.memref_slice %arg2[%arg1, %mul3A_2, %dma_start3A_15] : memref<16x160x128xi32, #tpu.memory_space<hbm>> -> memref<1x80x128xi32, #tpu.memory_space<hbm>>
      %dma_start3A_17 = tpu.memref_squeeze %dma_start3A_16 : memref<1x80x128xi32, #tpu.memory_space<hbm>> -> memref<80x128xi32, #tpu.memory_space<hbm>>
      tpu.enqueue_dma source(%dma_start3A_17 : memref<80x128xi32, #tpu.memory_space<hbm>>) target(%arg7 : memref<80x128xi32, #tpu.memory_space<vmem>>) target_semaphore(%run_scoped3A : memref<!tpu.dma_semaphore, #tpu.memory_space<semaphore_mem>>)
      %dma_wait3A = arith.constant 0 : i32
      %dma_wait3A_18 = tpu.memref_slice %arg2[%arg1, %mul3A_2, %dma_wait3A] : memref<16x160x128xi32, #tpu.memory_space<hbm>> -> memref<1x80x128xi32, #tpu.memory_space<hbm>>
      %dma_wait3A_19 = tpu.memref_squeeze %dma_wait3A_18 : memref<1x80x128xi32, #tpu.memory_space<hbm>> -> memref<80x128xi32, #tpu.memory_space<hbm>>
      %dma_wait3A_20 = arith.constant 0 : i32
      %dma_wait3A_21 = tpu.memref_slice %arg2[%arg1, %mul3A_2, %dma_wait3A_20] : memref<16x160x128xi32, #tpu.memory_space<hbm>> -> memref<1x80x128xi32, #tpu.memory_space<hbm>>
      %dma_wait3A_22 = tpu.memref_squeeze %dma_wait3A_21 : memref<1x80x128xi32, #tpu.memory_space<hbm>> -> memref<80x128xi32, #tpu.memory_space<hbm>>
      tpu.wait_dma2 semaphore(%run_scoped3A : memref<!tpu.dma_semaphore, #tpu.memory_space<semaphore_mem>>) src(%dma_wait3A_22 : memref<80x128xi32, #tpu.memory_space<hbm>>) dst(%arg7 : memref<80x128xi32, #tpu.memory_space<vmem>>)
      tpu.yield
    }) : () -> ()
    "tpu.region"() ({
      %run_scoped3A = tpu.sem_alloc : memref<!tpu.dma_semaphore, #tpu.memory_space<semaphore_mem>>
      tpu.enqueue_dma source(%arg3 : memref<128x16xf32, #tpu.memory_space<hbm>>) target(%arg8 : memref<128x16xf32, #tpu.memory_space<vmem>>) target_semaphore(%run_scoped3A : memref<!tpu.dma_semaphore, #tpu.memory_space<semaphore_mem>>)
      tpu.wait_dma2 semaphore(%run_scoped3A : memref<!tpu.dma_semaphore, #tpu.memory_space<semaphore_mem>>) src(%arg3 : memref<128x16xf32, #tpu.memory_space<hbm>>) dst(%arg8 : memref<128x16xf32, #tpu.memory_space<vmem>>)
      tpu.yield
    }) : () -> ()
    %barrier3A = arith.constant 0 : index
    tpu.barrier barrier_id(%barrier3A)
    %scan3A = arith.constant 0 : i32
    %scan3A_3 = arith.constant 0 : i32
    %scan3A_4 = arith.constant 80 : i32
    %scan3A_5 = arith.addi %scan3A_3, %scan3A_4 : i32
    %scan3A_6 = arith.constant 1 : i32
    scf.for %scan3A_13 = %scan3A_3 to %scan3A_5 step %scan3A_6  : i32 {
      "tpu.region"() ({
        %run_scoped3A = tpu.sem_alloc : memref<!tpu.dma_semaphore, #tpu.memory_space<semaphore_mem>>
        %dma_start3A = arith.constant 0 : i32
        %dma_start3A_14 = tpu.memref_slice %arg7[%scan3A_13, %dma_start3A] : memref<80x128xi32, #tpu.memory_space<vmem>> -> memref<1x128xi32, #tpu.memory_space<vmem>>
        %dma_start3A_15 = tpu.memref_squeeze %dma_start3A_14 : memref<1x128xi32, #tpu.memory_space<vmem>> -> memref<128xi32, #tpu.memory_space<vmem>>
        %dma_start3A_16 = arith.constant 0 : i32
        %dma_start3A_17 = arith.constant 0 : i32
        %dma_start3A_18 = tpu.memref_slice %arg6[%dma_start3A_16, %dma_start3A_17] : memref<10240x16xf32, #tpu.memory_space<vmem_shared>> -> memref<10240x16xf32, #tpu.memory_space<vmem_shared>>
        tpu.enqueue_indirect_dma source(%arg8 : memref<128x16xf32, #tpu.memory_space<vmem>>) target(%dma_start3A_18 : memref<10240x16xf32, #tpu.memory_space<vmem_shared>>) offsets(%dma_start3A_15 : memref<128xi32, #tpu.memory_space<vmem>>) semaphore(%run_scoped3A : memref<!tpu.dma_semaphore, #tpu.memory_space<semaphore_mem>>) {add = true}
        %dma_wait3A = arith.constant 0 : i32
        %dma_wait3A_19 = tpu.memref_slice %arg7[%scan3A_13, %dma_wait3A] : memref<80x128xi32, #tpu.memory_space<vmem>> -> memref<1x128xi32, #tpu.memory_space<vmem>>
        %dma_wait3A_20 = tpu.memref_squeeze %dma_wait3A_19 : memref<1x128xi32, #tpu.memory_space<vmem>> -> memref<128xi32, #tpu.memory_space<vmem>>
        %dma_wait3A_21 = arith.constant 0 : i32
        %dma_wait3A_22 = arith.constant 0 : i32
        %dma_wait3A_23 = tpu.memref_slice %arg6[%dma_wait3A_21, %dma_wait3A_22] : memref<10240x16xf32, #tpu.memory_space<vmem_shared>> -> memref<10240x16xf32, #tpu.memory_space<vmem_shared>>
        tpu.wait_indirect_dma semaphore(%run_scoped3A : memref<!tpu.dma_semaphore, #tpu.memory_space<semaphore_mem>>) src(%arg8 : memref<128x16xf32, #tpu.memory_space<vmem>>) dst(%dma_wait3A_23 : memref<10240x16xf32, #tpu.memory_space<vmem_shared>>)
        tpu.yield
      }) : () -> ()
    }
    %scan3A_7 = arith.constant 80 : i32
    %barrier3A_8 = arith.constant 0 : index
    tpu.barrier barrier_id(%barrier3A_8)
    %mul3A_9 = arith.constant 640 : i32
    %mul3A_10 = arith.muli %arg1, %mul3A_9 : i32
    %mul3A_11 = arith.constant 640 : i32
    %mul3A_12 = arith.muli %arg1, %mul3A_11 : i32
    "tpu.region"() ({
      %run_scoped3A = tpu.sem_alloc : memref<!tpu.dma_semaphore, #tpu.memory_space<semaphore_mem>>
      %dma_start3A = arith.constant 0 : i32
      %dma_start3A_13 = tpu.memref_slice %arg5[%arg0, %mul3A_12, %dma_start3A] : memref<2x10240x16xf32, #tpu.memory_space<hbm>> -> memref<1x640x16xf32, #tpu.memory_space<hbm>>
      %dma_start3A_14 = tpu.memref_squeeze %dma_start3A_13 : memref<1x640x16xf32, #tpu.memory_space<hbm>> -> memref<640x16xf32, #tpu.memory_space<hbm>>
      %dma_start3A_15 = arith.constant 0 : i32
      %dma_start3A_16 = tpu.memref_slice %arg6[%mul3A_10, %dma_start3A_15] : memref<10240x16xf32, #tpu.memory_space<vmem_shared>> -> memref<640x16xf32, #tpu.memory_space<vmem_shared>>
      tpu.enqueue_dma source(%dma_start3A_16 : memref<640x16xf32, #tpu.memory_space<vmem_shared>>) target(%dma_start3A_14 : memref<640x16xf32, #tpu.memory_space<hbm>>) target_semaphore(%run_scoped3A : memref<!tpu.dma_semaphore, #tpu.memory_space<semaphore_mem>>)
      %dma_wait3A = arith.constant 0 : i32
      %dma_wait3A_17 = tpu.memref_slice %arg5[%arg0, %mul3A_12, %dma_wait3A] : memref<2x10240x16xf32, #tpu.memory_space<hbm>> -> memref<1x640x16xf32, #tpu.memory_space<hbm>>
      %dma_wait3A_18 = tpu.memref_squeeze %dma_wait3A_17 : memref<1x640x16xf32, #tpu.memory_space<hbm>> -> memref<640x16xf32, #tpu.memory_space<hbm>>
      %dma_wait3A_19 = arith.constant 0 : i32
      %dma_wait3A_20 = tpu.memref_slice %arg6[%mul3A_10, %dma_wait3A_19] : memref<10240x16xf32, #tpu.memory_space<vmem_shared>> -> memref<640x16xf32, #tpu.memory_space<vmem_shared>>
      tpu.wait_dma2 semaphore(%run_scoped3A : memref<!tpu.dma_semaphore, #tpu.memory_space<semaphore_mem>>) src(%dma_wait3A_20 : memref<640x16xf32, #tpu.memory_space<vmem_shared>>) dst(%dma_wait3A_18 : memref<640x16xf32, #tpu.memory_space<hbm>>)
      tpu.yield
    }) : () -> ()
    return
  }
}

module attributes {stable_mosaic.version = 14 : i64} {
  func.func @_tc_first_body(%arg0: i32, %arg1: memref<1000x128xf32, #tpu.memory_space<vmem>>, %arg2: memref<128x128xf32, #tpu.memory_space<vmem>>, %arg3: memref<2x1000x16xf32, #tpu.memory_space<vmem>>, %arg4: memref<1000x128xf32, #tpu.memory_space<vmem>>) attributes {dimension_semantics = [#tpu.dimension_semantics<arbitrary>], iteration_bounds = array<i64: 10>, scalar_prefetch = 0 : i64, scratch_operands = 0 : i64, tpu.core_type = #tpu.core_type<tc>, window_params = [{transform_indices = @transform_0, window_bounds = array<i64: 1000, 128>}, {pipeline_mode = #tpu.pipeline_mode<synchronous>, transform_indices = @transform_1, window_bounds = array<i64: 128, 128>}, {transform_indices = @transform_2, window_bounds = array<i64: 2, 1000, 16>}, {transform_indices = @transform_3, window_bounds = array<i64: 1000, 128>}]} {
    %get3A = arith.constant 0 : index
    %get3A_0 = arith.constant 0 : index
    %get3A_1 = vector.load %arg1[%get3A, %get3A_0] : memref<1000x128xf32, #tpu.memory_space<vmem>>, vector<1000x128xf32>
    %get3A_2 = arith.constant 0 : index
    %get3A_3 = arith.constant 0 : index
    %get3A_4 = vector.load %arg2[%get3A_2, %get3A_3] : memref<128x128xf32, #tpu.memory_space<vmem>>, vector<128x128xf32>
    %dot_general3A = arith.constant dense<0.000000e+00> : vector<1000x128xf32>
    %dot_general3A_5 = tpu.matmul %get3A_1, %get3A_4, %dot_general3A {dimension_numbers = #tpu.dot_dimension_numbers<[1], [0], [0], [1], [0, 0, 1, 1], [], []>, transpose_lhs_hint = false} : vector<1000x128xf32>, vector<128x128xf32>, vector<1000x128xf32> -> vector<1000x128xf32>
    %get3A_6 = arith.constant 0 : index
    %get3A_7 = arith.constant 0 : index
    %get3A_8 = arith.constant 0 : index
    %get3A_9 = vector.load %arg3[%get3A_6, %get3A_7, %get3A_8] : memref<2x1000x16xf32, #tpu.memory_space<vmem>>, vector<1x1000x1xf32>
    %get3A_10 = vector.shape_cast %get3A_9 : vector<1x1000x1xf32> to vector<1000xf32>
    %add3A = arith.constant 1.000000e+00 : f32
    %add3A_11 = vector.broadcast %add3A : f32 to vector<1000xf32>
    %add3A_12 = arith.addf %add3A_11, %get3A_10 : vector<1000xf32>
    %get3A_13 = arith.constant 1 : index
    %get3A_14 = arith.constant 0 : index
    %get3A_15 = arith.constant 0 : index
    %get3A_16 = vector.load %arg3[%get3A_13, %get3A_14, %get3A_15] : memref<2x1000x16xf32, #tpu.memory_space<vmem>>, vector<1x1000x1xf32>
    %get3A_17 = vector.shape_cast %get3A_16 : vector<1x1000x1xf32> to vector<1000xf32>
    %add3A_18 = arith.addf %add3A_12, %get3A_17 : vector<1000xf32>
    %rsqrt3A = math.rsqrt %add3A_18 : vector<1000xf32>
    %broadcast_in_dim3A = vector.shape_cast %rsqrt3A : vector<1000xf32> to vector<1000x1xf32>
    %mul3A = vector.broadcast %broadcast_in_dim3A : vector<1000x1xf32> to vector<1000x128xf32>
    %mul3A_19 = arith.mulf %dot_general3A_5, %mul3A : vector<1000x128xf32>
    %swap3A = arith.constant 0 : index
    %swap3A_20 = arith.constant 0 : index
    %swap3A_21 = vector.load %arg4[%swap3A, %swap3A_20] : memref<1000x128xf32, #tpu.memory_space<vmem>>, vector<1000x128xf32>
    tpu.vector_store %arg4[%swap3A, %swap3A_20], %mul3A_19 {strides = array<i32>} : memref<1000x128xf32, #tpu.memory_space<vmem>>, vector<1000x128xf32>,
    return
  }
  func.func @transform_0(%arg0: i32) -> (i32, i32) {
    %c0_i32 = arith.constant 0 : i32
    %c0_i32_0 = arith.constant 0 : i32
    return %arg0, %c0_i32 : i32, i32
  }
  func.func @transform_1(%arg0: i32) -> (i32, i32) {
    %c0_i32 = arith.constant 0 : i32
    %c0_i32_0 = arith.constant 0 : i32
    %c0_i32_1 = arith.constant 0 : i32
    return %c0_i32, %c0_i32_0 : i32, i32
  }
  func.func @transform_2(%arg0: i32) -> (i32, i32, i32) {
    %c0_i32 = arith.constant 0 : i32
    %c0_i32_0 = arith.constant 0 : i32
    %c0_i32_1 = arith.constant 0 : i32
    return %c0_i32, %arg0, %c0_i32_0 : i32, i32, i32
  }
  func.func @transform_3(%arg0: i32) -> (i32, i32) {
    %c0_i32 = arith.constant 0 : i32
    %c0_i32_0 = arith.constant 0 : i32
    return %arg0, %c0_i32 : i32, i32
  }
}

module attributes {stable_mosaic.version = 14 : i64} {
  func.func @_tc_mid_body(%arg0: i32, %arg1: memref<2x1000x128xf32, #tpu.memory_space<vmem>>, %arg2: memref<1000x128xf32, #tpu.memory_space<vmem>>, %arg3: memref<2x1000x16xf32, #tpu.memory_space<vmem>>, %arg4: memref<1x128xf32, #tpu.memory_space<vmem>>, %arg5: memref<1x128xf32, #tpu.memory_space<vmem>>, %arg6: memref<1x128xf32, #tpu.memory_space<vmem>>, %arg7: memref<128x128xf32, #tpu.memory_space<vmem>>, %arg8: memref<1000x128xf32, #tpu.memory_space<vmem>>, %arg9: memref<1000x128xf32, #tpu.memory_space<vmem>>) attributes {dimension_semantics = [#tpu.dimension_semantics<arbitrary>], iteration_bounds = array<i64: 10>, scalar_prefetch = 0 : i64, scratch_operands = 0 : i64, tpu.core_type = #tpu.core_type<tc>, window_params = [{transform_indices = @transform_0, window_bounds = array<i64: 2, 1000, 128>}, {transform_indices = @transform_1, window_bounds = array<i64: 1000, 128>}, {transform_indices = @transform_2, window_bounds = array<i64: 2, 1000, 16>}, {pipeline_mode = #tpu.pipeline_mode<synchronous>, transform_indices = @transform_3, window_bounds = array<i64: 1, 128>}, {pipeline_mode = #tpu.pipeline_mode<synchronous>, transform_indices = @transform_4, window_bounds = array<i64: 1, 128>}, {pipeline_mode = #tpu.pipeline_mode<synchronous>, transform_indices = @transform_5, window_bounds = array<i64: 1, 128>}, {pipeline_mode = #tpu.pipeline_mode<synchronous>, transform_indices = @transform_6, window_bounds = array<i64: 128, 128>}, {transform_indices = @transform_7, window_bounds = array<i64: 1000, 128>}, {transform_indices = @transform_8, window_bounds = array<i64: 1000, 128>}]} {
    %get3A = arith.constant 0 : index
    %get3A_0 = arith.constant 0 : index
    %get3A_1 = arith.constant 0 : index
    %get3A_2 = vector.load %arg3[%get3A, %get3A_0, %get3A_1] : memref<2x1000x16xf32, #tpu.memory_space<vmem>>, vector<1x1000x1xf32>
    %get3A_3 = vector.shape_cast %get3A_2 : vector<1x1000x1xf32> to vector<1000xf32>
    %add3A = arith.constant 1.000000e+00 : f32
    %add3A_4 = vector.broadcast %add3A : f32 to vector<1000xf32>
    %add3A_5 = arith.addf %add3A_4, %get3A_3 : vector<1000xf32>
    %get3A_6 = arith.constant 1 : index
    %get3A_7 = arith.constant 0 : index
    %get3A_8 = arith.constant 0 : index
    %get3A_9 = vector.load %arg3[%get3A_6, %get3A_7, %get3A_8] : memref<2x1000x16xf32, #tpu.memory_space<vmem>>, vector<1x1000x1xf32>
    %get3A_10 = vector.shape_cast %get3A_9 : vector<1x1000x1xf32> to vector<1000xf32>
    %add3A_11 = arith.addf %add3A_5, %get3A_10 : vector<1000xf32>
    %rsqrt3A = math.rsqrt %add3A_11 : vector<1000xf32>
    %broadcast_in_dim3A = vector.shape_cast %rsqrt3A : vector<1000xf32> to vector<1000x1xf32>
    %get3A_12 = arith.constant 0 : index
    %get3A_13 = arith.constant 0 : index
    %get3A_14 = arith.constant 0 : index
    %get3A_15 = vector.load %arg1[%get3A_12, %get3A_13, %get3A_14] : memref<2x1000x128xf32, #tpu.memory_space<vmem>>, vector<1x1000x128xf32>
    %get3A_16 = vector.shape_cast %get3A_15 : vector<1x1000x128xf32> to vector<1000x128xf32>
    %get3A_17 = arith.constant 1 : index
    %get3A_18 = arith.constant 0 : index
    %get3A_19 = arith.constant 0 : index
    %get3A_20 = vector.load %arg1[%get3A_17, %get3A_18, %get3A_19] : memref<2x1000x128xf32, #tpu.memory_space<vmem>>, vector<1x1000x128xf32>
    %get3A_21 = vector.shape_cast %get3A_20 : vector<1x1000x128xf32> to vector<1000x128xf32>
    %add3A_22 = arith.addf %get3A_16, %get3A_21 : vector<1000x128xf32>
    %get3A_23 = arith.constant 0 : index
    %get3A_24 = arith.constant 0 : index
    %get3A_25 = vector.load %arg2[%get3A_23, %get3A_24] : memref<1000x128xf32, #tpu.memory_space<vmem>>, vector<1000x128xf32>
    %add3A_26 = arith.addf %add3A_22, %get3A_25 : vector<1000x128xf32>
    %mul3A = vector.broadcast %broadcast_in_dim3A : vector<1000x1xf32> to vector<1000x128xf32>
    %mul3A_27 = arith.mulf %add3A_26, %mul3A : vector<1000x128xf32>
    %get3A_28 = arith.constant 0 : index
    %get3A_29 = arith.constant 0 : index
    %get3A_30 = vector.load %arg4[%get3A_28, %get3A_29] : memref<1x128xf32, #tpu.memory_space<vmem>>, vector<1x128xf32>
    %get3A_31 = vector.shape_cast %get3A_30 : vector<1x128xf32> to vector<128xf32>
    %broadcast_in_dim3A_32 = vector.shape_cast %get3A_31 : vector<128xf32> to vector<1x128xf32>
    %add3A_33 = vector.broadcast %broadcast_in_dim3A_32 : vector<1x128xf32> to vector<1000x128xf32>
    %add3A_34 = arith.addf %mul3A_27, %add3A_33 : vector<1000x128xf32>
    %get3A_35 = arith.constant 0 : index
    %get3A_36 = arith.constant 0 : index
    %get3A_37 = vector.load %arg5[%get3A_35, %get3A_36] : memref<1x128xf32, #tpu.memory_space<vmem>>, vector<1x128xf32>
    %get3A_38 = vector.shape_cast %get3A_37 : vector<1x128xf32> to vector<128xf32>
    %mul3A_39 = arith.constant 0.999994993 : f32
    %mul3A_40 = vector.broadcast %mul3A_39 : f32 to vector<128xf32>
    %mul3A_41 = arith.mulf %get3A_38, %mul3A_40 : vector<128xf32>
    %broadcast_in_dim3A_42 = vector.shape_cast %mul3A_41 : vector<128xf32> to vector<1x128xf32>
    %mul3A_43 = vector.broadcast %broadcast_in_dim3A_42 : vector<1x128xf32> to vector<1000x128xf32>
    %mul3A_44 = arith.mulf %add3A_34, %mul3A_43 : vector<1000x128xf32>
    %get3A_45 = arith.constant 0 : index
    %get3A_46 = arith.constant 0 : index
    %get3A_47 = vector.load %arg6[%get3A_45, %get3A_46] : memref<1x128xf32, #tpu.memory_space<vmem>>, vector<1x128xf32>
    %get3A_48 = vector.shape_cast %get3A_47 : vector<1x128xf32> to vector<128xf32>
    %broadcast_in_dim3A_49 = vector.shape_cast %get3A_48 : vector<128xf32> to vector<1x128xf32>
    %add3A_50 = vector.broadcast %broadcast_in_dim3A_49 : vector<1x128xf32> to vector<1000x128xf32>
    %add3A_51 = arith.addf %mul3A_44, %add3A_50 : vector<1000x128xf32>
    %max3A = arith.constant 0.000000e+00 : f32
    %max3A_52 = vector.broadcast %max3A : f32 to vector<1000x128xf32>
    %max3A_53 = arith.maximumf %add3A_51, %max3A_52 : vector<1000x128xf32>
    %swap3A = arith.constant 0 : index
    %swap3A_54 = arith.constant 0 : index
    %swap3A_55 = vector.load %arg8[%swap3A, %swap3A_54] : memref<1000x128xf32, #tpu.memory_space<vmem>>, vector<1000x128xf32>
    tpu.vector_store %arg8[%swap3A, %swap3A_54], %max3A_53 {strides = array<i32>} : memref<1000x128xf32, #tpu.memory_space<vmem>>, vector<1000x128xf32>,
    %get3A_56 = arith.constant 0 : index
    %get3A_57 = arith.constant 0 : index
    %get3A_58 = vector.load %arg7[%get3A_56, %get3A_57] : memref<128x128xf32, #tpu.memory_space<vmem>>, vector<128x128xf32>
    %dot_general3A = arith.constant dense<0.000000e+00> : vector<1000x128xf32>
    %dot_general3A_59 = tpu.matmul %max3A_53, %get3A_58, %dot_general3A {dimension_numbers = #tpu.dot_dimension_numbers<[1], [0], [0], [1], [0, 0, 1, 1], [], []>, transpose_lhs_hint = false} : vector<1000x128xf32>, vector<128x128xf32>, vector<1000x128xf32> -> vector<1000x128xf32>
    %mul3A_60 = vector.broadcast %broadcast_in_dim3A : vector<1000x1xf32> to vector<1000x128xf32>
    %mul3A_61 = arith.mulf %dot_general3A_59, %mul3A_60 : vector<1000x128xf32>
    %swap3A_62 = arith.constant 0 : index
    %swap3A_63 = arith.constant 0 : index
    %swap3A_64 = vector.load %arg9[%swap3A_62, %swap3A_63] : memref<1000x128xf32, #tpu.memory_space<vmem>>, vector<1000x128xf32>
    tpu.vector_store %arg9[%swap3A_62, %swap3A_63], %mul3A_61 {strides = array<i32>} : memref<1000x128xf32, #tpu.memory_space<vmem>>, vector<1000x128xf32>,
    return
  }
  func.func @transform_0(%arg0: i32) -> (i32, i32, i32) {
    %c0_i32 = arith.constant 0 : i32
    %c0_i32_0 = arith.constant 0 : i32
    %c0_i32_1 = arith.constant 0 : i32
    return %c0_i32, %arg0, %c0_i32_0 : i32, i32, i32
  }
  func.func @transform_1(%arg0: i32) -> (i32, i32) {
    %c0_i32 = arith.constant 0 : i32
    %c0_i32_0 = arith.constant 0 : i32
    return %arg0, %c0_i32 : i32, i32
  }
  func.func @transform_2(%arg0: i32) -> (i32, i32, i32) {
    %c0_i32 = arith.constant 0 : i32
    %c0_i32_0 = arith.constant 0 : i32
    %c0_i32_1 = arith.constant 0 : i32
    return %c0_i32, %arg0, %c0_i32_0 : i32, i32, i32
  }
  func.func @transform_3(%arg0: i32) -> (i32, i32) {
    %c0_i32 = arith.constant 0 : i32
    %c0_i32_0 = arith.constant 0 : i32
    %c0_i32_1 = arith.constant 0 : i32
    return %c0_i32, %c0_i32_0 : i32, i32
  }
  func.func @transform_4(%arg0: i32) -> (i32, i32) {
    %c0_i32 = arith.constant 0 : i32
    %c0_i32_0 = arith.constant 0 : i32
    %c0_i32_1 = arith.constant 0 : i32
    return %c0_i32, %c0_i32_0 : i32, i32
  }
  func.func @transform_5(%arg0: i32) -> (i32, i32) {
    %c0_i32 = arith.constant 0 : i32
    %c0_i32_0 = arith.constant 0 : i32
    %c0_i32_1 = arith.constant 0 : i32
    return %c0_i32, %c0_i32_0 : i32, i32
  }
  func.func @transform_6(%arg0: i32) -> (i32, i32) {
    %c0_i32 = arith.constant 0 : i32
    %c0_i32_0 = arith.constant 0 : i32
    %c0_i32_1 = arith.constant 0 : i32
    return %c0_i32, %c0_i32_0 : i32, i32
  }
  func.func @transform_7(%arg0: i32) -> (i32, i32) {
    %c0_i32 = arith.constant 0 : i32
    %c0_i32_0 = arith.constant 0 : i32
    return %arg0, %c0_i32 : i32, i32
  }
  func.func @transform_8(%arg0: i32) -> (i32, i32) {
    %c0_i32 = arith.constant 0 : i32
    %c0_i32_0 = arith.constant 0 : i32
    return %arg0, %c0_i32 : i32, i32
  }
}

module attributes {stable_mosaic.version = 14 : i64} {
  func.func @_tc_head_body(%arg0: i32, %arg1: memref<3x1000x128xf32, #tpu.memory_space<vmem>>, %arg2: memref<3x128x128xf32, #tpu.memory_space<vmem>>, %arg3: memref<1x128xf32, #tpu.memory_space<vmem>>, %arg4: memref<1000x128xf32, #tpu.memory_space<vmem>>) attributes {dimension_semantics = [#tpu.dimension_semantics<arbitrary>], iteration_bounds = array<i64: 10>, scalar_prefetch = 0 : i64, scratch_operands = 0 : i64, tpu.core_type = #tpu.core_type<tc>, window_params = [{transform_indices = @transform_0, window_bounds = array<i64: 3, 1000, 128>}, {pipeline_mode = #tpu.pipeline_mode<synchronous>, transform_indices = @transform_1, window_bounds = array<i64: 3, 128, 128>}, {pipeline_mode = #tpu.pipeline_mode<synchronous>, transform_indices = @transform_2, window_bounds = array<i64: 1, 128>}, {transform_indices = @transform_3, window_bounds = array<i64: 1000, 128>}]} {
    %get3A = arith.constant 0 : index
    %get3A_0 = arith.constant 0 : index
    %get3A_1 = arith.constant 0 : index
    %get3A_2 = vector.load %arg1[%get3A, %get3A_0, %get3A_1] : memref<3x1000x128xf32, #tpu.memory_space<vmem>>, vector<1x1000x128xf32>
    %get3A_3 = vector.shape_cast %get3A_2 : vector<1x1000x128xf32> to vector<1000x128xf32>
    %get3A_4 = arith.constant 0 : index
    %get3A_5 = arith.constant 0 : index
    %get3A_6 = arith.constant 0 : index
    %get3A_7 = vector.load %arg2[%get3A_4, %get3A_5, %get3A_6] : memref<3x128x128xf32, #tpu.memory_space<vmem>>, vector<1x128x128xf32>
    %get3A_8 = vector.shape_cast %get3A_7 : vector<1x128x128xf32> to vector<128x128xf32>
    %dot_general3A = arith.constant dense<0.000000e+00> : vector<1000x128xf32>
    %dot_general3A_9 = tpu.matmul %get3A_3, %get3A_8, %dot_general3A {dimension_numbers = #tpu.dot_dimension_numbers<[1], [0], [0], [1], [0, 0, 1, 1], [], []>, transpose_lhs_hint = false} : vector<1000x128xf32>, vector<128x128xf32>, vector<1000x128xf32> -> vector<1000x128xf32>
    %get3A_10 = arith.constant 1 : index
    %get3A_11 = arith.constant 0 : index
    %get3A_12 = arith.constant 0 : index
    %get3A_13 = vector.load %arg1[%get3A_10, %get3A_11, %get3A_12] : memref<3x1000x128xf32, #tpu.memory_space<vmem>>, vector<1x1000x128xf32>
    %get3A_14 = vector.shape_cast %get3A_13 : vector<1x1000x128xf32> to vector<1000x128xf32>
    %get3A_15 = arith.constant 1 : index
    %get3A_16 = arith.constant 0 : index
    %get3A_17 = arith.constant 0 : index
    %get3A_18 = vector.load %arg2[%get3A_15, %get3A_16, %get3A_17] : memref<3x128x128xf32, #tpu.memory_space<vmem>>, vector<1x128x128xf32>
    %get3A_19 = vector.shape_cast %get3A_18 : vector<1x128x128xf32> to vector<128x128xf32>
    %dot_general3A_20 = arith.constant dense<0.000000e+00> : vector<1000x128xf32>
    %dot_general3A_21 = tpu.matmul %get3A_14, %get3A_19, %dot_general3A_20 {dimension_numbers = #tpu.dot_dimension_numbers<[1], [0], [0], [1], [0, 0, 1, 1], [], []>, transpose_lhs_hint = false} : vector<1000x128xf32>, vector<128x128xf32>, vector<1000x128xf32> -> vector<1000x128xf32>
    %add3A = arith.addf %dot_general3A_9, %dot_general3A_21 : vector<1000x128xf32>
    %get3A_22 = arith.constant 2 : index
    %get3A_23 = arith.constant 0 : index
    %get3A_24 = arith.constant 0 : index
    %get3A_25 = vector.load %arg1[%get3A_22, %get3A_23, %get3A_24] : memref<3x1000x128xf32, #tpu.memory_space<vmem>>, vector<1x1000x128xf32>
    %get3A_26 = vector.shape_cast %get3A_25 : vector<1x1000x128xf32> to vector<1000x128xf32>
    %get3A_27 = arith.constant 2 : index
    %get3A_28 = arith.constant 0 : index
    %get3A_29 = arith.constant 0 : index
    %get3A_30 = vector.load %arg2[%get3A_27, %get3A_28, %get3A_29] : memref<3x128x128xf32, #tpu.memory_space<vmem>>, vector<1x128x128xf32>
    %get3A_31 = vector.shape_cast %get3A_30 : vector<1x128x128xf32> to vector<128x128xf32>
    %dot_general3A_32 = arith.constant dense<0.000000e+00> : vector<1000x128xf32>
    %dot_general3A_33 = tpu.matmul %get3A_26, %get3A_31, %dot_general3A_32 {dimension_numbers = #tpu.dot_dimension_numbers<[1], [0], [0], [1], [0, 0, 1, 1], [], []>, transpose_lhs_hint = false} : vector<1000x128xf32>, vector<128x128xf32>, vector<1000x128xf32> -> vector<1000x128xf32>
    %add3A_34 = arith.addf %add3A, %dot_general3A_33 : vector<1000x128xf32>
    %get3A_35 = arith.constant 0 : index
    %get3A_36 = arith.constant 0 : index
    %get3A_37 = vector.load %arg3[%get3A_35, %get3A_36] : memref<1x128xf32, #tpu.memory_space<vmem>>, vector<1x128xf32>
    %get3A_38 = vector.shape_cast %get3A_37 : vector<1x128xf32> to vector<128xf32>
    %broadcast_in_dim3A = vector.shape_cast %get3A_38 : vector<128xf32> to vector<1x128xf32>
    %add3A_39 = vector.broadcast %broadcast_in_dim3A : vector<1x128xf32> to vector<1000x128xf32>
    %add3A_40 = arith.addf %add3A_34, %add3A_39 : vector<1000x128xf32>
    %swap3A = arith.constant 0 : index
    %swap3A_41 = arith.constant 0 : index
    %swap3A_42 = vector.load %arg4[%swap3A, %swap3A_41] : memref<1000x128xf32, #tpu.memory_space<vmem>>, vector<1000x128xf32>
    tpu.vector_store %arg4[%swap3A, %swap3A_41], %add3A_40 {strides = array<i32>} : memref<1000x128xf32, #tpu.memory_space<vmem>>, vector<1000x128xf32>,
    return
  }
  func.func @transform_0(%arg0: i32) -> (i32, i32, i32) {
    %c0_i32 = arith.constant 0 : i32
    %c0_i32_0 = arith.constant 0 : i32
    %c0_i32_1 = arith.constant 0 : i32
    return %c0_i32, %arg0, %c0_i32_0 : i32, i32, i32
  }
  func.func @transform_1(%arg0: i32) -> (i32, i32, i32) {
    %c0_i32 = arith.constant 0 : i32
    %c0_i32_0 = arith.constant 0 : i32
    %c0_i32_1 = arith.constant 0 : i32
    %c0_i32_2 = arith.constant 0 : i32
    return %c0_i32, %c0_i32_0, %c0_i32_1 : i32, i32, i32
  }
  func.func @transform_2(%arg0: i32) -> (i32, i32) {
    %c0_i32 = arith.constant 0 : i32
    %c0_i32_0 = arith.constant 0 : i32
    %c0_i32_1 = arith.constant 0 : i32
    return %c0_i32, %c0_i32_0 : i32, i32
  }
  func.func @transform_3(%arg0: i32) -> (i32, i32) {
    %c0_i32 = arith.constant 0 : i32
    %c0_i32_0 = arith.constant 0 : i32
    return %arg0, %c0_i32 : i32, i32
  }
}

</mosaic_0001>

<sc_bundles>
// kernel: closed_call.12.cloned.1.call-start
scs
__scs_entry_jumppad:
0x0: {  	(pc) =	sbr.rel $0x88, $3  }
0x1: {  	(tag) =	ssettag $0x0;
	lr =	simm.s32 $0x1  }
0x2: {  	[smem:$0x3F91] =	sst lr;
	_ =	strace $0xD0000000  }
0x3: {  	_ = 	snop  }
0x4: {  	_ = 	snop  }
0x5: {  	_ = 	snop  }
0x6: {  	_ = 	snop  }
0x7: {  	_ = 	snop  }
__scs_overlays_trampoline_lowered:
0x8: {  	[smem:$0x3FA0] =	sst s0  }
0x9: {  	[smem:$0x3FA1] =	sst s1  }
0xa: {  	[smem:$0x3FA2] =	sst s2  }
0xb: {  	[smem:$0x3FA3] =	sst s3  }
0xc: {  	[smem:$0x3FA4] =	sst s4  }
0xd: {  	[smem:$0x3FA5] =	sst s5  }
0xe: {  	[smem:$0x3FA6] =	sst s6  }
0xf: {  	[smem:$0x3FA7] =	sst s7  }
0x10: {  	[smem:$0x3FA8] =	sst s8  }
0x11: {  	[smem:$0x3FA9] =	sst s9;
	s0 =	simm.s32 @!p0 $0x0  }
0x12: {  	s1 =	sld [smem:$0x3F8F];
	s0 =	simm.s32 @p0 $0x1  }
0x13: {  	[smem:$0x3FAA] =	sst s0;
	s0 =	simm.s32 @!p1 $0x0  }
0x14: {  	s2 =	sld [smem:$0x3F8E];
	s0 =	simm.s32 @p1 $0x1  }
0x15: {  	[smem:$0x3FAB] =	sst s0;
	s0 =	simm.s32 @!p2 $0x0  }
0x16: {  	s3 =	sld [smem:$0x3FDB];
	s0 =	simm.s32 @p2 $0x1  }
0x17: {  	s4 =	simm.s32 $0x1BF5;
	[smem:$0x3FAD] =	sst s0  }
0x18: {  	s0 =	sld [smem:$0x3F90];
	_ =	swait.ge [sflag:s4], $0x0  }
0x19: {  	s7 =	sld [smem:$0x3F91]  }
0x1a: {  	s8 =	sadd.s32 $0xFFFFE003, lr  }
0x1b: {  	s9 =	sadd.s32 $0xFFFFFEF7, lr;
	s5 =	simm.s32 $0xFFFFFFFF;
	p2 =	slt.u32 s8, $0xFFFFF086  }
0x1c: {  	p1 =	slt.u32 s9, $0xF7A;
	s5 =	simm.s32 @!p2 $0x0  }
0x1d: {  	s5 =	simm.s32 @p1 $0x1;
	p0 =	seq.s32 s7, s2  }
0x1e: {  	s7 =	smul.u32 @!p0 $0xF7A, s2;
	p2 =	seq.s32 @!p0 s5, $0x0  }
0x1f: {  	s9 =	smul.u32 $0xF7A, s1;
	s8 =	simm.s32 @!p0 $0x1BF5;
	p2 =	por !p2, p0  }
0x20: {  	[sflag:s8] =	ssyncset.s32 @!p0 $0xFFFFF086;
	s6 =	sadd.s32 @!p0 s3, s7;
	s7 =	simm.s32 @!p0 $0x108  }
0x21: {  	s3 =	sadd.s32 s3, s9;
	s6 =	sadd.s32 @!p0 $0x88, s6;
	s7 =	simm.s32 @p2 $0x1082  }
0x22: {  	[simem:s7], [sflag:s8] =	dma.local @!p0 [hbm:s6], $0xF7A  }
0x23: {  	s9 =	sor.u32 $0xD0000000, s2;
	s6 =	simm.s32 $0x108;
	_ =	swait.ge @!p0 [sflag:s8], $0x0  }
0x24: {  	s3 =	sadd.s32 $0x88, s3;
	s6 =	simm.s32 @!p1 $0x1082;
	[sflag:s4] =	ssyncset.s32 $0xFFFFF086  }
0x25: {  	[simem:s6], [sflag:s4] =	dma.local [hbm:s3], $0xF7A  }
0x26: {  	[smem:$0x3F91] =	sst s1;
	(tag) =	ssettag s2;
	_ =	strace s9  }
0x27: {  	s1 =	sld [smem:$0x3FA1]  }
0x28: {  	s2 =	sld [smem:$0x3FA2]  }
0x29: {  	s4 =	sld [smem:$0x3FA4]  }
0x2a: {  	p0 =	seq.s32 s5, $0x0;
	s5 =	sld [smem:$0x3FA5]  }
0x2b: {  	s6 =	sld [smem:$0x3FA6]  }
0x2c: {  	s7 =	sld [smem:$0x3FA7]  }
0x2d: {  	s3 =	simm.s32 $0x108;
	s8 =	sld [smem:$0x3FA8]  }
0x2e: {  	s3 =	simm.s32 @!p0 $0x1082;
	s9 =	sld [smem:$0x3FA9]  }
0x2f: {  	lr =	sadd.s32 s0, s3;
	s0 =	sld [smem:$0x3FA0]  }
0x30: {  	s3 =	sld [smem:$0x3FA3]  }
0x31: {  	[smem:$0x3FAC] =	sst s10  }
0x32: {  	s10 =	sld [smem:$0x3FAA];
	_ =	sdelay $0x3  }
0x33: {  	p0 =	seq.s32 s10, $0x1;
	s10 =	sld [smem:$0x3FAC];
	_ =	sdelay $0x3  }
0x34: {  	[smem:$0x3FAC] =	sst s10  }
0x35: {  	s10 =	sld [smem:$0x3FAB];
	_ =	sdelay $0x3  }
0x36: {  	p1 =	seq.s32 s10, $0x1;
	s10 =	sld [smem:$0x3FAC];
	_ =	sdelay $0x3  }
0x37: {  	[smem:$0x3FAC] =	sst s10  }
0x38: {  	s10 =	sld [smem:$0x3FAD]  }
0x39: {  	_ = 	snop;
	(pc) =	sbr.ind lr, $3  }
0x3a: {  	_ = 	snop  }
0x3b: {  	_ = 	snop  }
0x3c: {  	p2 =	seq.s32 s10, $0x1;
	s10 =	sld [smem:$0x3FAC]  }
0x3d: {  	_ =	shalt  }
0x3e: {  	_ =	shalt  }
0x3f: {  	_ =	shalt  }
0x40: {  	_ =	shalt  }
0x41: {  	_ =	shalt  }
0x42: {  	_ =	shalt  }
0x43: {  	_ =	shalt  }
0x44: {  	_ =	shalt  }
0x45: {  	_ =	shalt  }
0x46: {  	_ =	shalt  }
0x47: {  	_ =	shalt  }
0x48: {  	_ =	shalt  }
0x49: {  	_ =	shalt  }
0x4a: {  	_ =	shalt  }
0x4b: {  	_ =	shalt  }
0x4c: {  	_ =	shalt  }
0x4d: {  	_ =	shalt  }
0x4e: {  	_ =	shalt  }
0x4f: {  	_ =	shalt  }
0x50: {  	_ =	shalt  }
0x51: {  	_ =	shalt  }
0x52: {  	_ =	shalt  }
0x53: {  	_ =	shalt  }
0x54: {  	_ =	shalt  }
0x55: {  	_ =	shalt  }
0x56: {  	_ =	shalt  }
0x57: {  	_ =	shalt  }
0x58: {  	_ =	shalt  }
0x59: {  	_ =	shalt  }
0x5a: {  	_ =	shalt  }
0x5b: {  	_ =	shalt  }
0x5c: {  	_ =	shalt  }
0x5d: {  	_ =	shalt  }
0x5e: {  	_ =	shalt  }
0x5f: {  	_ =	shalt  }
0x60: {  	_ =	shalt  }
0x61: {  	_ =	shalt  }
0x62: {  	_ =	shalt  }
0x63: {  	_ =	shalt  }
0x64: {  	_ =	shalt  }
0x65: {  	_ =	shalt  }
0x66: {  	_ =	shalt  }
0x67: {  	_ =	shalt  }
0x68: {  	_ =	shalt  }
0x69: {  	_ =	shalt  }
0x6a: {  	_ =	shalt  }
0x6b: {  	_ =	shalt  }
0x6c: {  	_ =	shalt  }
0x6d: {  	_ =	shalt  }
0x6e: {  	_ =	shalt  }
0x6f: {  	_ =	shalt  }
0x70: {  	_ =	shalt  }
0x71: {  	_ =	shalt  }
0x72: {  	_ =	shalt  }
0x73: {  	_ =	shalt  }
0x74: {  	_ =	shalt  }
0x75: {  	_ =	shalt  }
0x76: {  	_ =	shalt  }
0x77: {  	_ =	shalt  }
0x78: {  	_ =	shalt  }
0x79: {  	_ =	shalt  }
0x7a: {  	_ =	shalt  }
0x7b: {  	_ =	shalt  }
0x7c: {  	_ =	shalt  }
0x7d: {  	_ =	shalt  }
0x7e: {  	_ =	shalt  }
0x7f: {  	_ =	shalt  }
0x80: {  	_ =	shalt  }
0x81: {  	_ =	shalt  }
0x82: {  	_ =	shalt  }
0x83: {  	_ =	shalt  }
0x84: {  	_ =	shalt  }
0x85: {  	_ =	shalt  }
0x86: {  	_ =	shalt  }
0x87: {  	_ =	shalt  }
.Lfunc_end0:
.L_simem_size_0:
called_computation_lowered:
.L_overlay_start_0:
0x88: {  	s2 =	sld [smem:$0x3FD9]  }
0x89: {  	s3 =	sld [smem:$0x3FFE];
	_ =	sdelay $0x1  }
0x8a: {  	s1 =	srdreg.scid  }
0x8b: {  	s0 =	sand.u32 $0x1, s1  }
0x8c: {  	s17 =	sshll.u32 s0, $0xA;
	s2 =	sadd.s32 s3, s2  }
0x8d: {  	s2 =	sadd.s32 s2, s17  }
0x8e: {  	[smem:$0x3FB8] =	sst s2  }
0x8f: {  	_ = 	snop  }
0x90: {  	s2 =	sld [smem:$0x3FD0];
	(tm) =	ssettm $0x1  }
0x91: {  	s18 =	sld [smem:$0x3FFB];
	_ =	sdelay $0x3  }
0x92: {  	_ =	strace s18  }
0x93: {  	s3 =	sld [smem:$0x3FFC];
	_ =	sdelay $0x3  }
0x94: {  	_ =	strace s3  }
0x95: {  	s3 =	sld [smem:$0x3FFD];
	_ =	sdelay $0x3  }
0x96: {  	_ =	strace s3  }
0x97: {  	_ =	strace $0x8FFFFFFF  }
0x98: {  	s19 =	sld [smem:$0x3FDB];
	_ =	sdelay $0x1  }
0x99: {  	s4 =	simm.s32 $_scs_section_size  }
0x9a: {  	s5 =	simm.s32 $_size__tile_overlayer_lowered;
	s6 =	simm.s32 $_tile_overlayer_lowered  }
0x9b: {  	s22 =	simm.s32 $0x1BFF;
	s21 =	sshll.u32 s6, $0x1;
	s3 =	sadd.s32 s4, s19  }
0x9c: {  	s7 =	simm.s32 $0x0;
	s20 =	sshll.u32 s5, $0x1;
	s5 =	sadd.s32 s21, s3  }
0x9d: {  	[timem:s7], [sflag:s22] =	dma.local [hbm:s5], s20  }
0x9e: {  	_ =	swait.ge [sflag:s22], s20  }
0x9f: {  	s4 =	ssub.s32 $0x0, s20;
	[sflag:s22] =	ssyncset.done $0x0  }
0xa0: {  	[sflag:s22] =	ssyncadd.s32 s4;
	_ =	sdelay $0x1  }
0xa1: {  	s23 =	simm.s32 $0x1B8B  }
0xa2: {  	_ =	swait.ge [sflag:s23], $0x1  }
0xa3: {  	[sflag:s23] =	ssyncset.done $0x0  }
0xa4: {  	s25 =	simm.s32 $0x1B8E;
	s24 =	sld [smem:$0x3FFE];
	[sflag:s23] =	ssyncadd.s32 $0xFFFFFFFF  }
0xa5: {  	s26 =	simm.s32 $execute0_lowered;
	[smem:$0x3FD2] =	sst s25  }
0xa6: {  	s5 =	sshll.u32 s26, $0x1;
	_ =	strace $0x80000049;
	[dreg:$0x1] =	wrdreg $0xFFFFFFFF  }
0xa7: {  	s28 =	simm.s32 $_size_execute0_lowered;
	s3 =	sadd.s32 s3, s5;
	[dreg:$0x0] =	wrdreg $0x0  }
0xa8: {  	s5 =	sshll.u32 s28, $0x1;
	[dreg:$0x2] =	wrdreg s3  }
0xa9: {  	[dreg:$0x3] =	wrdreg s5  }
0xaa: {  	[dreg:$0x4] =	wrdreg $0xC0  }
0xab: {  	_ =	task [dreg:s7], $0x5FFFF  }
0xac: {  	[dreg:$0x1] =	wrdreg $0xFFFFFFFF  }
0xad: {  	[dreg:$0x0] =	wrdreg $0x60  }
0xae: {  	[dreg:$0x2] =	wrdreg s2  }
0xaf: {  	[dreg:$0x3] =	wrdreg s24  }
0xb0: {  	[dreg:$0x4] =	wrdreg $0x0  }
0xb1: {  	[dreg:$0x5] =	wrdreg $0x9  }
0xb2: {  	_ =	task.clear_ibuf [dreg:s7], $0x6FFFF;
	_ =	strace $0x90000049  }
0xb3: {  	s29 =	simm.s32 $0x9;
	_ =	strace $0x8000004B  }
0xb4: {  	_ =	swait.ge [sflag:s29], $0x1  }
0xb5: {  	[sflag:s29] =	ssyncadd.s32 $0xFFFFFFFF  }
0xb6: {  	_ =	strace $0x9000004B  }
0xb7: {  	_ =	sfence  }
0xb8: {  	s30 =	sld [smem:$0x0];
	_ =	sdelay $0x2  }
0xb9: {  	s31 =	sshll.u32 s1, $0xD;
	s1 =	sshrl.u32 s1, $0x2  }
0xba: {  	s3 =	sand.u32 $0x4000, s31;
	s1 =	sadd.s32 s1, s30  }
0xbb: {  	s0 =	sor.u32 s3, s0;
	s1 =	sshll.u32 s1, $0x11  }
0xbc: {  	s0 =	sor.u32 s1, s0  }
0xbd: {  	s0 =	sadd.s32 $0x8F2B, s0  }
0xbe: {  	[sflag:s0] =	ssyncadd.remote.s32 $0x1  }
0xbf: {  	_ =	sfence.sel $0xFFFF  }
0xc0: {  	[dreg:$0x0] =	wrdreg $0xFFFFFFFF;
	(pc) =	sbr.abs _section_cstart, $3  }
0xc1: {  	[dreg:$0x1] =	wrdreg $0xFFFFFFFF  }
0xc2: {  	_ =	task.clear_ibuf [dreg:s7], $0x2FFFF;
	_ =	strace $0x9FFFFFFF  }
0xc3: {  	(tm) =	ssettm $0x7FFFFFFF  }
tec
execute0_lowered:
.L_overlay_start_1:
0x0: {  	(tag) =	ssettag $0x1  }
0x1: {  	s1 =	rddreg [dreg:$0x0]  }
0x2: {  	s0 =	rddreg [dreg:$0x1]  }
0x3: {  	s3 =	rddreg [dreg:$0x2];
	s4 =	simm.s32 $0x0  }
0x4: {  	s2 =	srdreg.scid;
	s12 =	stileid.u32;
	s28 =	simm.s32 $0x2  }
0x5: {  	s29 =	simm.s32 $0x18400;
	s30 =	simm.s32 $0x6;
	s31 =	simm.s32 $0x7  }
0x6: {  	[smem:$0x7FF] =	sst s4;
	s2 =	sand.u32 $0x1, s2;
	s5 =	smul.u32 $0x14000, s12  }
0x7: {  	s8 =	sadd.s32 $0x83200, s0;
	s9 =	sadd.s32 $0x3400, s0;
	s10 =	sadd.s32 $0x8D200, s0  }
0x8: {  	s11 =	smul.u32 $0x2800, s12;
	s25 =	sshll.u32 s12, $0x6;
	_ =	strace $0x8000004A  }
0x9: {  	s6 =	smul.u32 $0x140000, s2;
	s7 =	sshll.u32 s2, $0x4;
	[dreg:$0xc] =	wrdreg s10  }
0xa: {  	s23 =	ssub.s32 $0x2, s2;
	s2 =	smul.u32 $0x28000, s2;
	s7 =	sor.u32 s12, s7  }
0xb: {  	s24 =	sshrl.u32 s23, $0x1;
	s6 =	sadd.s32 s5, s6;
	s22 =	smul.u32 $0x2800, s7  }
0xc: {  	s5 =	sadd.s32 s5, s3;
	s7 =	sor.u32 $0x1C0B, s25;
	s2 =	sadd.s32 s11, s2  }
0xd: {  	s6 =	sshrl.u32 s6, $0x3;
	[dreg:$0xd] =	wrdreg s5;
	s11 =	sor.u32 $0x280, s2  }
0xe: {  	s16 =	sor.u32 $0x200, s2;
	s19 =	sor.u32 $0x180, s2;
	s2 =	sor.u32 $0x100, s2  }
0xf: {  	[dreg:$0xe] =	wrdreg s7;
	s0 =	sadd.s32 s6, s0;
	s26 =	sshrl.u32 s22, $0x3  }
0x10: {  	s6 =	ssub.s32 s23, s24;
	s14 =	sshrl.u32 s11, $0x3;
	s10 =	sadd.s32 s8, s26  }
0x11: {  	s17 =	sshrl.u32 s16, $0x3;
	s5 =	sadd.s32 s9, s26;
	[dreg:$0xf] =	wrdreg s10  }
0x12: {  	s21 =	sshrl.u32 s19, $0x3;
	s15 =	sadd.s32 s14, s9;
	[dreg:$0x10] =	wrdreg s5  }
0x13: {  	s2 =	sshrl.u32 s2, $0x3;
	s18 =	sadd.s32 s17, s9;
	[dreg:$0x4] =	wrdreg s15  }
0x14: {  	s16 =	simm.s32 $0x14200;
	s20 =	sadd.s32 s17, s8;
	[dreg:$0x6] =	wrdreg s18  }
0x15: {  	s19 =	simm.s32 $0x14100;
	s22 =	sadd.s32 s21, s9;
	[dreg:$0x7] =	wrdreg s20  }
0x16: {  	s12 =	sor.u32 $0x10, s26;
	s0 =	sadd.s32 $0x8FA00, s0;
	[dreg:$0x8] =	wrdreg s22  }
0x17: {  	s23 =	sadd.s32 s21, s8;
	s24 =	sadd.s32 s2, s9;
	[dreg:$0x13] =	wrdreg s0  }
0x18: {  	s25 =	smax.u32 s6, $0x1;
	s26 =	sadd.s32 s2, s8;
	[dreg:$0x9] =	wrdreg s23  }
0x19: {  	s17 =	simm.s32 $0x14080;
	s21 =	simm.s32 $0x1;
	[dreg:$0x14] =	wrdreg s25  }
0x1a: {  	s2 =	simm.s32 $0x8;
	s13 =	sadd.s32 s8, s12;
	[dreg:$0xa] =	wrdreg s24  }
0x1b: {  	s10 =	sadd.s32 s9, s12;
	s5 =	sadd.s32 s14, s8;
	[dreg:$0xb] =	wrdreg s26  }
0x1c: {  	s8 =	simm.s32 $0xB;
	s15 =	simm.s32 $0x14000;
	s18 =	simm.s32 $0x14280  }
0x1d: {  	s20 =	simm.s32 $0x14300;
	s22 =	simm.s32 $0x80;
	s23 =	simm.s32 $0x14400  }
0x1e: {  	s24 =	simm.s32 $0x5;
	s25 =	simm.s32 $0x14180;
	[dreg:$0x11] =	wrdreg s13  }
0x1f: {  	s26 =	simm.s32 $0x14380;
	s0 =	simm.s32 $0x3;
	[dreg:$0x12] =	wrdreg s10  }
0x20: {  	s9 =	simm.s32 $0x0;
	[dreg:$0x5] =	wrdreg s5;
	s5 =	simm.s32 $0x4  }
.LBB2_1:
0x21: {  	s6 =	rddreg [dreg:$0xd]  }
0x22: {  	s14 =	rddreg [dreg:$0xc];
	s10 =	sshrl.u32 s6, $0x3  }
0x23: {  	[dreg:$0x15] =	wrdreg s10  }
0x24: {  	[spmem:s10], [sflag:s7] =	dma.local [hbm:s14], $0x2800  }
0x25: {  	_ =	swait.ge [sflag:s8], $0x2800  }
0x26: {  	[sflag:s8] =	ssyncset.done $0x0  }
0x27: {  	[sflag:s8] =	ssyncadd.s32 $0xFFFFD800  }
0x28: {  	[bflag:$0x0] =	sbarrier.arrive $0xFFFF  }
0x29: {  	s11 =	rddreg [dreg:$0xf]  }
0x2a: {  	[tilespmem:s15], [sflag:$0x1] =	stream.linear.gather [hbm4b:s11+s4], $0x80, $0x38;
	[tilespmem:$0x1C400] =	vst v63  }
0x2b: {  	s12 =	rddreg [dreg:$0x10]  }
0x2c: {  	[tilespmem:s16], [sflag:$0x1] =	stream.linear.gather [hbm4b:s12+s4], $0x80, $0x38;
	[tilespmem:$0x1C400] =	vst v63  }
0x2d: {  	p0 =	por $0x1, $0x1;
	s13 =	rddreg [dreg:$0x11]  }
0x2e: {  	[tilespmem:s17], [sflag:$0x2] =	stream.linear.gather [hbm4b:s13+s4], $0x80, $0x38;
	[tilespmem:$0x1C400] =	vst v63  }
0x2f: {  	s14 =	rddreg [dreg:$0x12];
	s11 =	simm.s32 @!p0 $0x9  }
0x30: {  	[tilespmem:s18], [sflag:$0x2] =	stream.linear.gather [hbm4b:s14+s4], $0x80, $0x38;
	[tilespmem:$0x1C400] =	vst v63  }
0x31: {  	_ =	swait.ge @!p0 [sflag:s11], $0x4000  }
0x32: {  	s12 =	rddreg [dreg:$0xb];
	[sflag:s11] =	ssyncset.done @!p0 $0x0  }
0x33: {  	s13 =	rddreg [dreg:$0xa];
	[sflag:s11] =	ssyncadd.s32 @!p0 $0xFFFFC000;
	s6 =	sadd.s32 $0x0, s12  }
0x34: {  	[tilespmem:s19], [sflag:$0x3] =	stream.linear.gather [hbm4b:s6+s4], $0x80, $0x38;
	[tilespmem:$0x1C400] =	vst v63  }
0x35: {  	s7 =	sadd.s32 $0x0, s13  }
0x36: {  	[tilespmem:s20], [sflag:$0x3] =	stream.linear.gather [hbm4b:s7+s4], $0x80, $0x38;
	[tilespmem:$0x1C400] =	vst v63  }
0x37: {  	_ =	swait.ge [sflag:s21], $0x80  }
0x38: {  	[sflag:s21] =	ssyncset.done $0x0  }
0x39: {  	[sflag:s21] =	ssyncadd.s32 $0xFFFFFF80  }
0x3a: {  	_ =	swait.ge [sflag:s21], $0x80  }
0x3b: {  	[sflag:s21] =	ssyncset.done $0x0  }
0x3c: {  	[sflag:s21] =	ssyncadd.s32 $0xFFFFFF80  }
0x3d: {  	[tilespmem:s23], [sflag:$0x5] =	stream.indirect.gather [hbm4b:s1+s22], $0x80, s15, s22, $0xb8;
	[tilespmem:$0x1C400] =	vst v63  }
0x3e: {  	_ =	swait.ge [sflag:s24], $0x4000  }
0x3f: {  	[sflag:s24] =	ssyncset.done $0x0  }
0x40: {  	s11 =	simm.s32 @!p0 $0xA;
	[sflag:s24] =	ssyncadd.s32 $0xFFFFC000  }
0x41: {  	[spmem:s3] =	stream.indirect.scatter.add.f32 [tilespmem:s23], [sflag:$0x7], $0x80, s16, s22, $0xb8;
	[tilespmem:$0x1C400] =	vst v63  }
0x42: {  	_ =	swait.ge @!p0 [sflag:s11], $0x4000  }
0x43: {  	s8 =	rddreg [dreg:$0x9];
	[sflag:s11] =	ssyncset.done @!p0 $0x0  }
0x44: {  	s10 =	rddreg [dreg:$0x8];
	[sflag:s11] =	ssyncadd.s32 @!p0 $0xFFFFC000;
	s12 =	sadd.s32 $0x0, s8  }
0x45: {  	[tilespmem:s25], [sflag:$0x4] =	stream.linear.gather [hbm4b:s12+s4], $0x80, $0x38;
	[tilespmem:$0x1C400] =	vst v63  }
0x46: {  	s14 =	sadd.s32 $0x0, s10  }
0x47: {  	[tilespmem:s26], [sflag:$0x4] =	stream.linear.gather [hbm4b:s14+s4], $0x80, $0x38;
	[tilespmem:$0x1C400] =	vst v63  }
0x48: {  	_ =	swait.ge [sflag:s28], $0x80  }
0x49: {  	[sflag:s28] =	ssyncset.done $0x0  }
0x4a: {  	[sflag:s28] =	ssyncadd.s32 $0xFFFFFF80  }
0x4b: {  	_ =	swait.ge [sflag:s28], $0x80  }
0x4c: {  	[sflag:s28] =	ssyncset.done $0x0  }
0x4d: {  	[sflag:s28] =	ssyncadd.s32 $0xFFFFFF80  }
0x4e: {  	[tilespmem:s29], [sflag:$0x6] =	stream.indirect.gather [hbm4b:s1+s22], $0x80, s17, s22, $0xb8;
	[tilespmem:$0x1C400] =	vst v63  }
0x4f: {  	_ =	swait.ge [sflag:s30], $0x4000  }
0x50: {  	[sflag:s30] =	ssyncset.done $0x0  }
0x51: {  	p0 =	por $0x0, $0x0;
	[sflag:s30] =	ssyncadd.s32 $0xFFFFC000  }
0x52: {  	[spmem:s3] =	stream.indirect.scatter.add.f32 [tilespmem:s29], [sflag:$0x8], $0x80, s18, s22, $0xb8;
	[tilespmem:$0x1C400] =	vst v63  }
0x53: {  	s13 =	simm.s32 @!p0 $0x0;
	_ =	swait.ge [sflag:s31], $0x4000  }
0x54: {  	s6 =	simm.s32 @!p0 $0x14000;
	s11 =	rddreg [dreg:$0x7];
	[sflag:s31] =	ssyncset.done $0x0  }
0x55: {  	s12 =	rddreg [dreg:$0x6];
	[sflag:s31] =	ssyncadd.s32 $0xFFFFC000;
	s11 =	sadd.s32 @!p0 $0x0, s11  }
0x56: {  	[tilespmem:s6], [sflag:$0x1] =	stream.linear.gather @!p0 [hbm4b:s11+s13], $0x80, $0x38;
	[tilespmem:$0x1C400] =	vst v63  }
0x57: {  	s6 =	simm.s32 @!p0 $0x14200;
	s11 =	sadd.s32 @!p0 $0x0, s12  }
0x58: {  	[tilespmem:s6], [sflag:$0x1] =	stream.linear.gather @!p0 [hbm4b:s11+s13], $0x80, $0x38;
	[tilespmem:$0x1C400] =	vst v63  }
0x59: {  	_ =	swait.ge [sflag:s0], $0x80  }
0x5a: {  	[sflag:s0] =	ssyncset.done $0x0  }
0x5b: {  	[sflag:s0] =	ssyncadd.s32 $0xFFFFFF80  }
0x5c: {  	_ =	swait.ge [sflag:s0], $0x80  }
0x5d: {  	[sflag:s0] =	ssyncset.done $0x0  }
0x5e: {  	[sflag:s0] =	ssyncadd.s32 $0xFFFFFF80  }
0x5f: {  	[tilespmem:s23], [sflag:$0x5] =	stream.indirect.gather [hbm4b:s1+s22], $0x80, s19, s22, $0xb8;
	[tilespmem:$0x1C400] =	vst v63  }
0x60: {  	_ =	swait.ge [sflag:s24], $0x4000  }
0x61: {  	[sflag:s24] =	ssyncset.done $0x0  }
0x62: {  	[sflag:s24] =	ssyncadd.s32 $0xFFFFC000  }
0x63: {  	[spmem:s3] =	stream.indirect.scatter.add.f32 [tilespmem:s23], [sflag:$0x9], $0x80, s20, s22, $0xb8;
	[tilespmem:$0x1C400] =	vst v63  }
0x64: {  	_ =	swait.ge [sflag:s2], $0x4000  }
0x65: {  	s12 =	simm.s32 @!p0 $0x14080;
	s6 =	rddreg [dreg:$0x5];
	[sflag:s2] =	ssyncset.done $0x0  }
0x66: {  	s11 =	rddreg [dreg:$0x4];
	[sflag:s2] =	ssyncadd.s32 $0xFFFFC000;
	s6 =	sadd.s32 @!p0 $0x0, s6  }
0x67: {  	[tilespmem:s12], [sflag:$0x2] =	stream.linear.gather @!p0 [hbm4b:s6+s13], $0x80, $0x38;
	[tilespmem:$0x1C400] =	vst v63  }
0x68: {  	s11 =	sadd.s32 @!p0 $0x0, s11;
	s6 =	simm.s32 @!p0 $0x14280  }
0x69: {  	[tilespmem:s6], [sflag:$0x2] =	stream.linear.gather @!p0 [hbm4b:s11+s13], $0x80, $0x38;
	[tilespmem:$0x1C400] =	vst v63  }
0x6a: {  	_ =	swait.ge [sflag:s5], $0x80  }
0x6b: {  	[sflag:s5] =	ssyncset.done $0x0  }
0x6c: {  	[sflag:s5] =	ssyncadd.s32 $0xFFFFFF80  }
0x6d: {  	_ =	swait.ge [sflag:s5], $0x80  }
0x6e: {  	[sflag:s5] =	ssyncset.done $0x0  }
0x6f: {  	p1 =	por $0x0, $0x0;
	[sflag:s5] =	ssyncadd.s32 $0xFFFFFF80  }
0x70: {  	[tilespmem:s29], [sflag:$0x6] =	stream.indirect.gather [hbm4b:s1+s22], $0x80, s25, s22, $0xb8;
	[tilespmem:$0x1C400] =	vst v63  }
0x71: {  	s12 =	simm.s32 $0x80;
	s11 =	simm.s32 $0x40;
	_ =	swait.ge [sflag:s30], $0x4000  }
.LBB2_2:
0x72: {  	[sflag:s30] =	ssyncset.done $0x0  }
0x73: {  	s6 =	simm.s32 @!p1 $0x9;
	[sflag:s30] =	ssyncadd.s32 $0xFFFFC000  }
0x74: {  	[spmem:s3] =	stream.indirect.scatter.add.f32 [tilespmem:s29], [sflag:$0xA], $0x80, s26, s22, $0xb8;
	[tilespmem:$0x1C400] =	vst v63  }
0x75: {  	_ =	swait.ge @!p1 [sflag:s6], $0x4000  }
0x76: {  	[sflag:s6] =	ssyncset.done @!p1 $0x0;
	s8 =	rddreg [dreg:$0xb]  }
0x77: {  	s10 =	rddreg [dreg:$0xa];
	[sflag:s6] =	ssyncadd.s32 @!p1 $0xFFFFC000;
	s8 =	sadd.s32 s11, s8  }
0x78: {  	[tilespmem:s19], [sflag:$0x3] =	stream.linear.gather [hbm4b:s8+s4], $0x80, $0x38;
	[tilespmem:$0x1C400] =	vst v63  }
0x79: {  	s6 =	sadd.s32 s11, s10  }
0x7a: {  	[tilespmem:s20], [sflag:$0x3] =	stream.linear.gather [hbm4b:s6+s4], $0x80, $0x38;
	[tilespmem:$0x1C400] =	vst v63  }
0x7b: {  	_ =	swait.ge [sflag:s21], $0x80  }
0x7c: {  	[sflag:s21] =	ssyncset.done $0x0  }
0x7d: {  	[sflag:s21] =	ssyncadd.s32 $0xFFFFFF80  }
0x7e: {  	_ =	swait.ge [sflag:s21], $0x80  }
0x7f: {  	[sflag:s21] =	ssyncset.done $0x0  }
0x80: {  	[sflag:s21] =	ssyncadd.s32 $0xFFFFFF80  }
0x81: {  	[tilespmem:s23], [sflag:$0x5] =	stream.indirect.gather [hbm4b:s1+s22], $0x80, s15, s22, $0xb8;
	[tilespmem:$0x1C400] =	vst v63  }
0x82: {  	_ =	swait.ge [sflag:s24], $0x4000  }
0x83: {  	[sflag:s24] =	ssyncset.done $0x0  }
0x84: {  	s6 =	simm.s32 @!p1 $0xA;
	[sflag:s24] =	ssyncadd.s32 $0xFFFFC000  }
0x85: {  	[spmem:s3] =	stream.indirect.scatter.add.f32 [tilespmem:s23], [sflag:$0x7], $0x80, s16, s22, $0xb8;
	[tilespmem:$0x1C400] =	vst v63  }
0x86: {  	_ =	swait.ge @!p1 [sflag:s6], $0x4000  }
0x87: {  	s14 =	rddreg [dreg:$0x9];
	[sflag:s6] =	ssyncset.done @!p1 $0x0  }
0x88: {  	s7 =	rddreg [dreg:$0x8];
	[sflag:s6] =	ssyncadd.s32 @!p1 $0xFFFFC000;
	s10 =	sadd.s32 s11, s14  }
0x89: {  	[tilespmem:s25], [sflag:$0x4] =	stream.linear.gather [hbm4b:s10+s4], $0x80, $0x38;
	[tilespmem:$0x1C400] =	vst v63  }
0x8a: {  	s14 =	sadd.s32 s11, s7  }
0x8b: {  	[tilespmem:s26], [sflag:$0x4] =	stream.linear.gather [hbm4b:s14+s4], $0x80, $0x38;
	[tilespmem:$0x1C400] =	vst v63  }
0x8c: {  	_ =	swait.ge [sflag:s28], $0x80  }
0x8d: {  	[sflag:s28] =	ssyncset.done $0x0  }
0x8e: {  	[sflag:s28] =	ssyncadd.s32 $0xFFFFFF80  }
0x8f: {  	_ =	swait.ge [sflag:s28], $0x80  }
0x90: {  	[sflag:s28] =	ssyncset.done $0x0  }
0x91: {  	[sflag:s28] =	ssyncadd.s32 $0xFFFFFF80  }
0x92: {  	[tilespmem:s29], [sflag:$0x6] =	stream.indirect.gather [hbm4b:s1+s22], $0x80, s17, s22, $0xb8;
	[tilespmem:$0x1C400] =	vst v63  }
0x93: {  	_ =	swait.ge [sflag:s30], $0x4000  }
0x94: {  	[sflag:s30] =	ssyncset.done $0x0  }
0x95: {  	p1 =	seq.s32 s11, $0x4C0;
	[sflag:s30] =	ssyncadd.s32 $0xFFFFC000  }
0x96: {  	[spmem:s3] =	stream.indirect.scatter.add.f32 [tilespmem:s29], [sflag:$0x8], $0x80, s18, s22, $0xb8;
	[tilespmem:$0x1C400] =	vst v63  }
0x97: {  	s8 =	simm.s32 @!p1 $0x0;
	_ =	swait.ge [sflag:s31], $0x4000  }
0x98: {  	s14 =	simm.s32 @!p1 $0x14000;
	s6 =	rddreg [dreg:$0x7];
	[sflag:s31] =	ssyncset.done $0x0  }
0x99: {  	s7 =	rddreg [dreg:$0x6];
	[sflag:s31] =	ssyncadd.s32 $0xFFFFC000;
	s6 =	sadd.s32 @!p1 s11, s6  }
0x9a: {  	[tilespmem:s14], [sflag:$0x1] =	stream.linear.gather @!p1 [hbm4b:s6+s8], $0x80, $0x38;
	[tilespmem:$0x1C400] =	vst v63  }
0x9b: {  	s10 =	simm.s32 @!p1 $0x14200;
	s6 =	sadd.s32 @!p1 s11, s7  }
0x9c: {  	[tilespmem:s10], [sflag:$0x1] =	stream.linear.gather @!p1 [hbm4b:s6+s8], $0x80, $0x38;
	[tilespmem:$0x1C400] =	vst v63  }
0x9d: {  	_ =	swait.ge [sflag:s0], $0x80  }
0x9e: {  	[sflag:s0] =	ssyncset.done $0x0  }
0x9f: {  	[sflag:s0] =	ssyncadd.s32 $0xFFFFFF80  }
0xa0: {  	_ =	swait.ge [sflag:s0], $0x80  }
0xa1: {  	[sflag:s0] =	ssyncset.done $0x0  }
0xa2: {  	[sflag:s0] =	ssyncadd.s32 $0xFFFFFF80  }
0xa3: {  	[tilespmem:s23], [sflag:$0x5] =	stream.indirect.gather [hbm4b:s1+s22], $0x80, s19, s22, $0xb8;
	[tilespmem:$0x1C400] =	vst v63  }
0xa4: {  	_ =	swait.ge [sflag:s24], $0x4000  }
0xa5: {  	[sflag:s24] =	ssyncset.done $0x0  }
0xa6: {  	[sflag:s24] =	ssyncadd.s32 $0xFFFFC000  }
0xa7: {  	[spmem:s3] =	stream.indirect.scatter.add.f32 [tilespmem:s23], [sflag:$0x9], $0x80, s20, s22, $0xb8;
	[tilespmem:$0x1C400] =	vst v63  }
0xa8: {  	_ =	swait.ge [sflag:s2], $0x4000  }
0xa9: {  	s10 =	simm.s32 @!p1 $0x14080;
	s6 =	rddreg [dreg:$0x5];
	[sflag:s2] =	ssyncset.done $0x0  }
0xaa: {  	s7 =	rddreg [dreg:$0x4];
	[sflag:s2] =	ssyncadd.s32 $0xFFFFC000;
	s6 =	sadd.s32 @!p1 s11, s6  }
0xab: {  	[tilespmem:s10], [sflag:$0x2] =	stream.linear.gather @!p1 [hbm4b:s6+s8], $0x80, $0x38;
	[tilespmem:$0x1C400] =	vst v63  }
0xac: {  	s14 =	simm.s32 @!p1 $0x14280;
	s6 =	sadd.s32 @!p1 s11, s7  }
0xad: {  	[tilespmem:s14], [sflag:$0x2] =	stream.linear.gather @!p1 [hbm4b:s6+s8], $0x80, $0x38;
	[tilespmem:$0x1C400] =	vst v63  }
0xae: {  	_ =	swait.ge [sflag:s5], $0x80  }
0xaf: {  	s13 =	smov.u32 s12;
	s12 =	sadd.s32 $0x40, s12;
	[sflag:s5] =	ssyncset.done $0x0  }
0xb0: {  	p0 =	sne.s32 s12, $0x500;
	[sflag:s5] =	ssyncadd.s32 $0xFFFFFF80  }
.Ltmp0:
0xb1: {  	_ =	swait.ge [sflag:s5], $0x80;
	(pc) =	sbr.rel @p0 .LBB2_2-.Ltmp0, $4  }
0xb2: {  	[sflag:s5] =	ssyncset.done $0x0  }
0xb3: {  	s11 =	smov.u32 s13;
	[sflag:s5] =	ssyncadd.s32 $0xFFFFFF80  }
0xb4: {  	[tilespmem:s29], [sflag:$0x6] =	stream.indirect.gather [hbm4b:s1+s22], $0x80, s25, s22, $0xb8;
	[tilespmem:$0x1C400] =	vst v63  }
0xb5: {  	p1 =	seq.s32 s11, $0x0;
	_ =	swait.ge [sflag:s30], $0x4000  }
0xb6: {  	[sflag:s30] =	ssyncset.done $0x0  }
0xb7: {  	s6 =	simm.s32 @!p1 $0x9;
	[sflag:s30] =	ssyncadd.s32 $0xFFFFC000  }
0xb8: {  	[spmem:s3] =	stream.indirect.scatter.add.f32 [tilespmem:s29], [sflag:$0xA], $0x80, s26, s22, $0xb8;
	[tilespmem:$0x1C400] =	vst v63  }
0xb9: {  	_ =	swait.ge @!p1 [sflag:s6], $0x4000  }
0xba: {  	s7 =	rddreg [dreg:$0xb];
	[sflag:s6] =	ssyncset.done @!p1 $0x0  }
0xbb: {  	s8 =	rddreg [dreg:$0xa];
	[sflag:s6] =	ssyncadd.s32 @!p1 $0xFFFFC000;
	s10 =	sadd.s32 s11, s7  }
0xbc: {  	[tilespmem:s19], [sflag:$0x3] =	stream.linear.gather [hbm4b:s10+s4], $0x80, $0x38;
	[tilespmem:$0x1C400] =	vst v63  }
0xbd: {  	s12 =	sadd.s32 s11, s8  }
0xbe: {  	[tilespmem:s20], [sflag:$0x3] =	stream.linear.gather [hbm4b:s12+s4], $0x80, $0x38;
	[tilespmem:$0x1C400] =	vst v63  }
0xbf: {  	_ =	swait.ge [sflag:s21], $0x80  }
0xc0: {  	[sflag:s21] =	ssyncset.done $0x0  }
0xc1: {  	[sflag:s21] =	ssyncadd.s32 $0xFFFFFF80  }
0xc2: {  	_ =	swait.ge [sflag:s21], $0x80  }
0xc3: {  	[sflag:s21] =	ssyncset.done $0x0  }
0xc4: {  	[sflag:s21] =	ssyncadd.s32 $0xFFFFFF80  }
0xc5: {  	[tilespmem:s23], [sflag:$0x5] =	stream.indirect.gather [hbm4b:s1+s22], $0x80, s15, s22, $0xb8;
	[tilespmem:$0x1C400] =	vst v63  }
0xc6: {  	_ =	swait.ge [sflag:s24], $0x4000  }
0xc7: {  	[sflag:s24] =	ssyncset.done $0x0  }
0xc8: {  	s6 =	simm.s32 @!p1 $0xA;
	[sflag:s24] =	ssyncadd.s32 $0xFFFFC000  }
0xc9: {  	[spmem:s3] =	stream.indirect.scatter.add.f32 [tilespmem:s23], [sflag:$0x7], $0x80, s16, s22, $0xb8;
	[tilespmem:$0x1C400] =	vst v63  }
0xca: {  	_ =	swait.ge @!p1 [sflag:s6], $0x4000  }
0xcb: {  	s13 =	rddreg [dreg:$0x9];
	[sflag:s6] =	ssyncset.done @!p1 $0x0  }
0xcc: {  	s14 =	rddreg [dreg:$0x8];
	[sflag:s6] =	ssyncadd.s32 @!p1 $0xFFFFC000;
	s7 =	sadd.s32 s11, s13  }
0xcd: {  	[tilespmem:s25], [sflag:$0x4] =	stream.linear.gather [hbm4b:s7+s4], $0x80, $0x38;
	[tilespmem:$0x1C400] =	vst v63  }
0xce: {  	s8 =	sadd.s32 s11, s14  }
0xcf: {  	[tilespmem:s26], [sflag:$0x4] =	stream.linear.gather [hbm4b:s8+s4], $0x80, $0x38;
	[tilespmem:$0x1C400] =	vst v63  }
0xd0: {  	_ =	swait.ge [sflag:s28], $0x80  }
0xd1: {  	[sflag:s28] =	ssyncset.done $0x0  }
0xd2: {  	[sflag:s28] =	ssyncadd.s32 $0xFFFFFF80  }
0xd3: {  	_ =	swait.ge [sflag:s28], $0x80  }
0xd4: {  	[sflag:s28] =	ssyncset.done $0x0  }
0xd5: {  	[sflag:s28] =	ssyncadd.s32 $0xFFFFFF80  }
0xd6: {  	[tilespmem:s29], [sflag:$0x6] =	stream.indirect.gather [hbm4b:s1+s22], $0x80, s17, s22, $0xb8;
	[tilespmem:$0x1C400] =	vst v63  }
0xd7: {  	_ =	swait.ge [sflag:s30], $0x4000  }
0xd8: {  	[sflag:s30] =	ssyncset.done $0x0  }
0xd9: {  	p0 =	seq.s32 s11, $0x4C0;
	[sflag:s30] =	ssyncadd.s32 $0xFFFFC000  }
0xda: {  	[spmem:s3] =	stream.indirect.scatter.add.f32 [tilespmem:s29], [sflag:$0x8], $0x80, s18, s22, $0xb8;
	[tilespmem:$0x1C400] =	vst v63  }
0xdb: {  	s10 =	simm.s32 @!p0 $0x14000;
	_ =	swait.ge [sflag:s31], $0x4000  }
0xdc: {  	s8 =	simm.s32 @!p0 $0x0;
	s6 =	rddreg [dreg:$0x7];
	[sflag:s31] =	ssyncset.done $0x0  }
0xdd: {  	s7 =	rddreg [dreg:$0x6];
	[sflag:s31] =	ssyncadd.s32 $0xFFFFC000;
	s6 =	sadd.s32 @!p0 s11, s6  }
0xde: {  	[tilespmem:s10], [sflag:$0x1] =	stream.linear.gather @!p0 [hbm4b:s6+s8], $0x80, $0x38;
	[tilespmem:$0x1C400] =	vst v63  }
0xdf: {  	s7 =	sadd.s32 @!p0 s11, s7;
	s6 =	simm.s32 @!p0 $0x14200  }
0xe0: {  	[tilespmem:s6], [sflag:$0x1] =	stream.linear.gather @!p0 [hbm4b:s7+s8], $0x80, $0x38;
	[tilespmem:$0x1C400] =	vst v63  }
0xe1: {  	_ =	swait.ge [sflag:s0], $0x80  }
0xe2: {  	[sflag:s0] =	ssyncset.done $0x0  }
0xe3: {  	[sflag:s0] =	ssyncadd.s32 $0xFFFFFF80  }
0xe4: {  	_ =	swait.ge [sflag:s0], $0x80  }
0xe5: {  	[sflag:s0] =	ssyncset.done $0x0  }
0xe6: {  	[sflag:s0] =	ssyncadd.s32 $0xFFFFFF80  }
0xe7: {  	[tilespmem:s23], [sflag:$0x5] =	stream.indirect.gather [hbm4b:s1+s22], $0x80, s19, s22, $0xb8;
	[tilespmem:$0x1C400] =	vst v63  }
0xe8: {  	_ =	swait.ge [sflag:s24], $0x4000  }
0xe9: {  	[sflag:s24] =	ssyncset.done $0x0  }
0xea: {  	[sflag:s24] =	ssyncadd.s32 $0xFFFFC000  }
0xeb: {  	[spmem:s3] =	stream.indirect.scatter.add.f32 [tilespmem:s23], [sflag:$0x9], $0x80, s20, s22, $0xb8;
	[tilespmem:$0x1C400] =	vst v63  }
0xec: {  	_ =	swait.ge [sflag:s2], $0x4000  }
0xed: {  	s10 =	simm.s32 @!p0 $0x14080;
	s6 =	rddreg [dreg:$0x5];
	[sflag:s2] =	ssyncset.done $0x0  }
0xee: {  	s7 =	rddreg [dreg:$0x4];
	[sflag:s2] =	ssyncadd.s32 $0xFFFFC000;
	s6 =	sadd.s32 @!p0 s11, s6  }
0xef: {  	[tilespmem:s10], [sflag:$0x2] =	stream.linear.gather @!p0 [hbm4b:s6+s8], $0x80, $0x38;
	[tilespmem:$0x1C400] =	vst v63  }
0xf0: {  	s6 =	sadd.s32 @!p0 s11, s7;
	s7 =	simm.s32 @!p0 $0x14280  }
0xf1: {  	[tilespmem:s7], [sflag:$0x2] =	stream.linear.gather @!p0 [hbm4b:s6+s8], $0x80, $0x38;
	[tilespmem:$0x1C400] =	vst v63  }
0xf2: {  	_ =	swait.ge [sflag:s5], $0x80  }
0xf3: {  	[sflag:s5] =	ssyncset.done $0x0  }
0xf4: {  	[sflag:s5] =	ssyncadd.s32 $0xFFFFFF80  }
0xf5: {  	_ =	swait.ge [sflag:s5], $0x80  }
0xf6: {  	[sflag:s5] =	ssyncset.done $0x0  }
0xf7: {  	[sflag:s5] =	ssyncadd.s32 $0xFFFFFF80  }
0xf8: {  	[tilespmem:s29], [sflag:$0x6] =	stream.indirect.gather [hbm4b:s1+s22], $0x80, s25, s22, $0xb8;
	[tilespmem:$0x1C400] =	vst v63  }
0xf9: {  	_ =	swait.ge [sflag:s30], $0x4000  }
0xfa: {  	[sflag:s30] =	ssyncset.done $0x0  }
0xfb: {  	s10 =	simm.s32 $0x9;
	[sflag:s30] =	ssyncadd.s32 $0xFFFFC000  }
0xfc: {  	[spmem:s3] =	stream.indirect.scatter.add.f32 [tilespmem:s29], [sflag:$0xA], $0x80, s26, s22, $0xb8;
	[tilespmem:$0x1C400] =	vst v63  }
0xfd: {  	_ =	swait.ge [sflag:s10], $0x4000  }
0xfe: {  	[sflag:s10] =	ssyncset.done $0x0  }
0xff: {  	s11 =	simm.s32 $0xA;
	[sflag:s10] =	ssyncadd.s32 $0xFFFFC000  }
0x100: {  	_ =	swait.ge [sflag:s11], $0x4000  }
0x101: {  	[sflag:s11] =	ssyncset.done $0x0  }
0x102: {  	[sflag:s11] =	ssyncadd.s32 $0xFFFFC000  }
0x103: {  	[bflag:$0x0] =	sbarrier.arrive $0xFFFF  }
0x104: {  	s7 =	rddreg [dreg:$0xe]  }
0x105: {  	s12 =	rddreg [dreg:$0x13]  }
0x106: {  	s8 =	simm.s32 $0xB;
	s13 =	rddreg [dreg:$0x15]  }
0x107: {  	[hbm:s12], [sflag:s7] =	dma.local [spmem:s13], $0x2800  }
0x108: {  	_ =	swait.ge [sflag:s8], $0x2800  }
0x109: {  	s9 =	sadd.s32 $0x1, s9;
	s14 =	rddreg [dreg:$0x14]  }
0x10a: {  	p0 =	sne.s32 s9, s14  }
.Ltmp1:
0x10b: {  	_ = 	snop;
	(pc) =	sbr.rel @p0 .LBB2_1-.Ltmp1, $3  }
0x10c: {  	_ =	sdelay $0x1  }
0x10d: {  	[sflag:s8] =	ssyncset.done $0x0  }
0x10e: {  	[sflag:s8] =	ssyncadd.s32 $0xFFFFD800  }
0x10f: {  	_ =	sfence.sel $0x180000  }
0x110: {  	[bflag:$0x0] =	sbarrier.arrive $0xFFFF  }
0x111: {  	_ =	strace $0x9000004A  }
0x112: {  	s0 =	stileid.u32;
	[bflag:$0x2] =	sbarrier.arrive $0xFFFF  }
0x113: {  	p0 =	sne.s32 s0, $0x0;
	s0 =	rddreg [dreg:$0x3]  }
0x114: {  	s0 =	sadd.s32 @!p0 $0x100000, s0  }
0x115: {  	[sflag:s0] =	ssyncadd.tile.s32 @!p0 $0x1;
	_ =	shalt  }
.Lfunc_end2:
_tile_overlayer_lowered:
.L_overlay_start_2:
0x116: {  	(tag) =	ssettag $0x2  }
0x117: {  	s0 =	rddreg [dreg:$0x0];
	s2 =	stileid.u32  }
0x118: {  	s1 =	rddreg [dreg:$0x1];
	p0 =	sne.s32 s2, $0x0  }
0x119: {  	s3 =	rddreg [dreg:$0x2];
	[bflag:$0x3] =	sbarrier.arrive $0xFFFF;
	s2 =	simm.s32 @!p0 $0x1C0B  }
0x11a: {  	[timem:s3], [sflag:s2] =	dma.local @!p0 [hbm:s0], s1  }
0x11b: {  	s0 =	simm.s32 @!p0 $0xB  }
0x11c: {  	_ =	swait.ge @!p0 [sflag:s0], s1  }
0x11d: {  	s1 =	ssub.s32 @!p0 $0x0, s1;
	[sflag:s0] =	ssyncset.done @!p0 $0x0  }
0x11e: {  	[sflag:s0] =	ssyncadd.s32 @!p0 s1  }
0x11f: {  	[bflag:$0x3] =	sbarrier.arrive $0xFFFF  }
0x120: {  	_ =	shalt  }

// kernel: kernel.5.cloned.1.call-start
scs
__scs_entry_jumppad:
0x0: {  	(pc) =	sbr.rel $0x88, $3  }
0x1: {  	(tag) =	ssettag $0x0;
	lr =	simm.s32 $0x1  }
0x2: {  	[smem:$0x3F91] =	sst lr;
	_ =	strace $0xD0000000  }
0x3: {  	_ = 	snop  }
0x4: {  	_ = 	snop  }
0x5: {  	_ = 	snop  }
0x6: {  	_ = 	snop  }
0x7: {  	_ = 	snop  }
__scs_overlays_trampoline_lowered:
0x8: {  	[smem:$0x3FA0] =	sst s0  }
0x9: {  	[smem:$0x3FA1] =	sst s1  }
0xa: {  	[smem:$0x3FA2] =	sst s2  }
0xb: {  	[smem:$0x3FA3] =	sst s3  }
0xc: {  	[smem:$0x3FA4] =	sst s4  }
0xd: {  	[smem:$0x3FA5] =	sst s5  }
0xe: {  	[smem:$0x3FA6] =	sst s6  }
0xf: {  	[smem:$0x3FA7] =	sst s7  }
0x10: {  	[smem:$0x3FA8] =	sst s8  }
0x11: {  	[smem:$0x3FA9] =	sst s9;
	s0 =	simm.s32 @!p0 $0x0  }
0x12: {  	s1 =	sld [smem:$0x3F8F];
	s0 =	simm.s32 @p0 $0x1  }
0x13: {  	[smem:$0x3FAA] =	sst s0;
	s0 =	simm.s32 @!p1 $0x0  }
0x14: {  	s2 =	sld [smem:$0x3F8E];
	s0 =	simm.s32 @p1 $0x1  }
0x15: {  	[smem:$0x3FAB] =	sst s0;
	s0 =	simm.s32 @!p2 $0x0  }
0x16: {  	s3 =	sld [smem:$0x3FDB];
	s0 =	simm.s32 @p2 $0x1  }
0x17: {  	s4 =	simm.s32 $0x1BF5;
	[smem:$0x3FAD] =	sst s0  }
0x18: {  	s0 =	sld [smem:$0x3F90];
	_ =	swait.ge [sflag:s4], $0x0  }
0x19: {  	s7 =	sld [smem:$0x3F91]  }
0x1a: {  	s8 =	sadd.s32 $0xFFFFE003, lr  }
0x1b: {  	s9 =	sadd.s32 $0xFFFFFEF7, lr;
	s5 =	simm.s32 $0xFFFFFFFF;
	p2 =	slt.u32 s8, $0xFFFFF086  }
0x1c: {  	p1 =	slt.u32 s9, $0xF7A;
	s5 =	simm.s32 @!p2 $0x0  }
0x1d: {  	s5 =	simm.s32 @p1 $0x1;
	p0 =	seq.s32 s7, s2  }
0x1e: {  	s7 =	smul.u32 @!p0 $0xF7A, s2;
	p2 =	seq.s32 @!p0 s5, $0x0  }
0x1f: {  	s9 =	smul.u32 $0xF7A, s1;
	s8 =	simm.s32 @!p0 $0x1BF5;
	p2 =	por !p2, p0  }
0x20: {  	[sflag:s8] =	ssyncset.s32 @!p0 $0xFFFFF086;
	s6 =	sadd.s32 @!p0 s3, s7;
	s7 =	simm.s32 @!p0 $0x108  }
0x21: {  	s3 =	sadd.s32 s3, s9;
	s6 =	sadd.s32 @!p0 $0x88, s6;
	s7 =	simm.s32 @p2 $0x1082  }
0x22: {  	[simem:s7], [sflag:s8] =	dma.local @!p0 [hbm:s6], $0xF7A  }
0x23: {  	s9 =	sor.u32 $0xD0000000, s2;
	s6 =	simm.s32 $0x108;
	_ =	swait.ge @!p0 [sflag:s8], $0x0  }
0x24: {  	s3 =	sadd.s32 $0x88, s3;
	s6 =	simm.s32 @!p1 $0x1082;
	[sflag:s4] =	ssyncset.s32 $0xFFFFF086  }
0x25: {  	[simem:s6], [sflag:s4] =	dma.local [hbm:s3], $0xF7A  }
0x26: {  	[smem:$0x3F91] =	sst s1;
	(tag) =	ssettag s2;
	_ =	strace s9  }
0x27: {  	s1 =	sld [smem:$0x3FA1]  }
0x28: {  	s2 =	sld [smem:$0x3FA2]  }
0x29: {  	s4 =	sld [smem:$0x3FA4]  }
0x2a: {  	p0 =	seq.s32 s5, $0x0;
	s5 =	sld [smem:$0x3FA5]  }
0x2b: {  	s6 =	sld [smem:$0x3FA6]  }
0x2c: {  	s7 =	sld [smem:$0x3FA7]  }
0x2d: {  	s3 =	simm.s32 $0x108;
	s8 =	sld [smem:$0x3FA8]  }
0x2e: {  	s3 =	simm.s32 @!p0 $0x1082;
	s9 =	sld [smem:$0x3FA9]  }
0x2f: {  	lr =	sadd.s32 s0, s3;
	s0 =	sld [smem:$0x3FA0]  }
0x30: {  	s3 =	sld [smem:$0x3FA3]  }
0x31: {  	[smem:$0x3FAC] =	sst s10  }
0x32: {  	s10 =	sld [smem:$0x3FAA];
	_ =	sdelay $0x3  }
0x33: {  	p0 =	seq.s32 s10, $0x1;
	s10 =	sld [smem:$0x3FAC];
	_ =	sdelay $0x3  }
0x34: {  	[smem:$0x3FAC] =	sst s10  }
0x35: {  	s10 =	sld [smem:$0x3FAB];
	_ =	sdelay $0x3  }
0x36: {  	p1 =	seq.s32 s10, $0x1;
	s10 =	sld [smem:$0x3FAC];
	_ =	sdelay $0x3  }
0x37: {  	[smem:$0x3FAC] =	sst s10  }
0x38: {  	s10 =	sld [smem:$0x3FAD]  }
0x39: {  	_ = 	snop;
	(pc) =	sbr.ind lr, $3  }
0x3a: {  	_ = 	snop  }
0x3b: {  	_ = 	snop  }
0x3c: {  	p2 =	seq.s32 s10, $0x1;
	s10 =	sld [smem:$0x3FAC]  }
0x3d: {  	_ =	shalt  }
0x3e: {  	_ =	shalt  }
0x3f: {  	_ =	shalt  }
0x40: {  	_ =	shalt  }
0x41: {  	_ =	shalt  }
0x42: {  	_ =	shalt  }
0x43: {  	_ =	shalt  }
0x44: {  	_ =	shalt  }
0x45: {  	_ =	shalt  }
0x46: {  	_ =	shalt  }
0x47: {  	_ =	shalt  }
0x48: {  	_ =	shalt  }
0x49: {  	_ =	shalt  }
0x4a: {  	_ =	shalt  }
0x4b: {  	_ =	shalt  }
0x4c: {  	_ =	shalt  }
0x4d: {  	_ =	shalt  }
0x4e: {  	_ =	shalt  }
0x4f: {  	_ =	shalt  }
0x50: {  	_ =	shalt  }
0x51: {  	_ =	shalt  }
0x52: {  	_ =	shalt  }
0x53: {  	_ =	shalt  }
0x54: {  	_ =	shalt  }
0x55: {  	_ =	shalt  }
0x56: {  	_ =	shalt  }
0x57: {  	_ =	shalt  }
0x58: {  	_ =	shalt  }
0x59: {  	_ =	shalt  }
0x5a: {  	_ =	shalt  }
0x5b: {  	_ =	shalt  }
0x5c: {  	_ =	shalt  }
0x5d: {  	_ =	shalt  }
0x5e: {  	_ =	shalt  }
0x5f: {  	_ =	shalt  }
0x60: {  	_ =	shalt  }
0x61: {  	_ =	shalt  }
0x62: {  	_ =	shalt  }
0x63: {  	_ =	shalt  }
0x64: {  	_ =	shalt  }
0x65: {  	_ =	shalt  }
0x66: {  	_ =	shalt  }
0x67: {  	_ =	shalt  }
0x68: {  	_ =	shalt  }
0x69: {  	_ =	shalt  }
0x6a: {  	_ =	shalt  }
0x6b: {  	_ =	shalt  }
0x6c: {  	_ =	shalt  }
0x6d: {  	_ =	shalt  }
0x6e: {  	_ =	shalt  }
0x6f: {  	_ =	shalt  }
0x70: {  	_ =	shalt  }
0x71: {  	_ =	shalt  }
0x72: {  	_ =	shalt  }
0x73: {  	_ =	shalt  }
0x74: {  	_ =	shalt  }
0x75: {  	_ =	shalt  }
0x76: {  	_ =	shalt  }
0x77: {  	_ =	shalt  }
0x78: {  	_ =	shalt  }
0x79: {  	_ =	shalt  }
0x7a: {  	_ =	shalt  }
0x7b: {  	_ =	shalt  }
0x7c: {  	_ =	shalt  }
0x7d: {  	_ =	shalt  }
0x7e: {  	_ =	shalt  }
0x7f: {  	_ =	shalt  }
0x80: {  	_ =	shalt  }
0x81: {  	_ =	shalt  }
0x82: {  	_ =	shalt  }
0x83: {  	_ =	shalt  }
0x84: {  	_ =	shalt  }
0x85: {  	_ =	shalt  }
0x86: {  	_ =	shalt  }
0x87: {  	_ =	shalt  }
.Lfunc_end0:
.L_simem_size_0:
called_computation.1_lowered:
.L_overlay_start_0:
0x88: {  	s2 =	sld [smem:$0x3FD9]  }
0x89: {  	s3 =	sld [smem:$0x3FFE];
	_ =	sdelay $0x1  }
0x8a: {  	s1 =	srdreg.scid  }
0x8b: {  	s0 =	sand.u32 $0x1, s1  }
0x8c: {  	s17 =	sshll.u32 s0, $0xA;
	s2 =	sadd.s32 s3, s2  }
0x8d: {  	s2 =	sadd.s32 s2, s17  }
0x8e: {  	[smem:$0x3FB8] =	sst s2  }
0x8f: {  	_ = 	snop  }
0x90: {  	s2 =	sld [smem:$0x3FD0];
	(tm) =	ssettm $0x1  }
0x91: {  	s18 =	sld [smem:$0x3FFB];
	_ =	sdelay $0x3  }
0x92: {  	_ =	strace s18  }
0x93: {  	s3 =	sld [smem:$0x3FFC];
	_ =	sdelay $0x3  }
0x94: {  	_ =	strace s3  }
0x95: {  	s3 =	sld [smem:$0x3FFD];
	_ =	sdelay $0x3  }
0x96: {  	_ =	strace s3  }
0x97: {  	_ =	strace $0x8FFFFFFF  }
0x98: {  	s19 =	sld [smem:$0x3FDB];
	_ =	sdelay $0x1  }
0x99: {  	s4 =	simm.s32 $_scs_section_size  }
0x9a: {  	s5 =	simm.s32 $_size__tile_overlayer_lowered;
	s6 =	simm.s32 $_tile_overlayer_lowered  }
0x9b: {  	s22 =	simm.s32 $0x1BFF;
	s21 =	sshll.u32 s6, $0x1;
	s3 =	sadd.s32 s4, s19  }
0x9c: {  	s7 =	simm.s32 $0x0;
	s20 =	sshll.u32 s5, $0x1;
	s5 =	sadd.s32 s21, s3  }
0x9d: {  	[timem:s7], [sflag:s22] =	dma.local [hbm:s5], s20  }
0x9e: {  	_ =	swait.ge [sflag:s22], s20  }
0x9f: {  	s4 =	ssub.s32 $0x0, s20;
	[sflag:s22] =	ssyncset.done $0x0  }
0xa0: {  	[sflag:s22] =	ssyncadd.s32 s4;
	_ =	sdelay $0x1  }
0xa1: {  	s23 =	simm.s32 $0x1B8B  }
0xa2: {  	_ =	swait.ge [sflag:s23], $0x1  }
0xa3: {  	[sflag:s23] =	ssyncset.done $0x0  }
0xa4: {  	s25 =	simm.s32 $0x1B8E;
	s24 =	sld [smem:$0x3FFE];
	[sflag:s23] =	ssyncadd.s32 $0xFFFFFFFF  }
0xa5: {  	s26 =	simm.s32 $execute0_lowered;
	[smem:$0x3FD2] =	sst s25  }
0xa6: {  	s5 =	sshll.u32 s26, $0x1;
	_ =	strace $0x80000046;
	[dreg:$0x1] =	wrdreg $0xFFFFFFFF  }
0xa7: {  	s28 =	simm.s32 $_size_execute0_lowered;
	s3 =	sadd.s32 s3, s5;
	[dreg:$0x0] =	wrdreg $0x0  }
0xa8: {  	s5 =	sshll.u32 s28, $0x1;
	[dreg:$0x2] =	wrdreg s3  }
0xa9: {  	[dreg:$0x3] =	wrdreg s5  }
0xaa: {  	[dreg:$0x4] =	wrdreg $0xC0  }
0xab: {  	_ =	task [dreg:s7], $0x5FFFF  }
0xac: {  	[dreg:$0x1] =	wrdreg $0xFFFFFFFF  }
0xad: {  	[dreg:$0x0] =	wrdreg $0x60  }
0xae: {  	[dreg:$0x2] =	wrdreg s24  }
0xaf: {  	[dreg:$0x3] =	wrdreg s2  }
0xb0: {  	[dreg:$0x4] =	wrdreg $0x0  }
0xb1: {  	[dreg:$0x5] =	wrdreg $0x9  }
0xb2: {  	_ =	task.clear_ibuf [dreg:s7], $0x6FFFF;
	_ =	strace $0x90000046  }
0xb3: {  	s29 =	simm.s32 $0x9;
	_ =	strace $0x80000048  }
0xb4: {  	_ =	swait.ge [sflag:s29], $0x1  }
0xb5: {  	[sflag:s29] =	ssyncadd.s32 $0xFFFFFFFF  }
0xb6: {  	_ =	strace $0x90000048  }
0xb7: {  	_ =	sfence  }
0xb8: {  	s30 =	sld [smem:$0x0];
	_ =	sdelay $0x2  }
0xb9: {  	s31 =	sshll.u32 s1, $0xD;
	s1 =	sshrl.u32 s1, $0x2  }
0xba: {  	s3 =	sand.u32 $0x4000, s31;
	s1 =	sadd.s32 s1, s30  }
0xbb: {  	s0 =	sor.u32 s3, s0;
	s1 =	sshll.u32 s1, $0x11  }
0xbc: {  	s0 =	sor.u32 s1, s0  }
0xbd: {  	s0 =	sadd.s32 $0x8F2B, s0  }
0xbe: {  	[sflag:s0] =	ssyncadd.remote.s32 $0x1  }
0xbf: {  	_ =	sfence.sel $0xFFFF  }
0xc0: {  	[dreg:$0x0] =	wrdreg $0xFFFFFFFF;
	(pc) =	sbr.abs _section_cstart, $3  }
0xc1: {  	[dreg:$0x1] =	wrdreg $0xFFFFFFFF  }
0xc2: {  	_ =	task.clear_ibuf [dreg:s7], $0x2FFFF;
	_ =	strace $0x9FFFFFFF  }
0xc3: {  	(tm) =	ssettm $0x7FFFFFFF  }
tec
execute0_lowered:
.L_overlay_start_1:
0x0: {  	(tag) =	ssettag $0x1  }
0x1: {  	s5 =	rddreg [dreg:$0x0]  }
0x2: {  	s1 =	srdreg.scid;
	s8 =	rddreg [dreg:$0x1]  }
0x3: {  	s0 =	stileid.u32;
	s2 =	rddreg [dreg:$0x2];
	s3 =	simm.s32 $0x0  }
0x4: {  	s13 =	simm.s32 $0x5000;
	s14 =	simm.s32 $0x80;
	s6 =	smul.u32 $0x5000, s0  }
0x5: {  	s4 =	sand.u32 $0x1, s1;
	s1 =	rddreg [dreg:$0x3];
	s29 =	smul.u32 $0x2800, s0  }
0x6: {  	s15 =	simm.s32 $0x0;
	[smem:$0x7FF] =	sst s3;
	s7 =	smul.u32 $0x2800, s4  }
0x7: {  	s31 =	sshll.u32 s0, $0x6;
	s30 =	ssub.s32 $0x2, s4;
	s10 =	smul.u32 $0x28000, s4  }
0x8: {  	_ =	strace $0x80000047;
	s4 =	sadd.s32 $0xDA00, s5;
	s11 =	sshrl.u32 s30, $0x1  }
0x9: {  	s12 =	sadd.s32 s29, s2;
	s6 =	sadd.s32 s7, s6;
	s10 =	sadd.s32 s29, s10  }
0xa: {  	s11 =	ssub.s32 s30, s11;
	s6 =	sshrl.u32 s6, $0x3;
	s10 =	sshrl.u32 s10, $0x3  }
0xb: {  	s9 =	sadd.s32 s6, s5;
	s5 =	sadd.s32 $0xD400, s5;
	s6 =	sor.u32 $0x1C01, s31  }
0xc: {  	s8 =	sadd.s32 s8, s10;
	s10 =	sshrl.u32 s12, $0x3;
	s12 =	simm.s32 $0x2800  }
0xd: {  	s7 =	sadd.s32 $0x3400, s9;
	s9 =	smax.u32 s11, $0x1;
	s11 =	simm.s32 $0x1  }
.LBB2_1:
0xe: {  	[spmem:s10], [sflag:s6] =	dma.local [hbm:s5], $0x500  }
0xf: {  	_ =	swait.ge [sflag:s11], $0x500  }
0x10: {  	[sflag:s11] =	ssyncset.done $0x0  }
0x11: {  	[sflag:s11] =	ssyncadd.s32 $0xFFFFFB00  }
0x12: {  	[tilespmem:s12], [sflag:$0x1] =	stream.linear.gather [hbm4b:s7+s3], $0x2800, $0x38;
	[tilespmem:$0x5800] =	vst v63  }
0x13: {  	_ =	swait.ge [sflag:s11], $0x2800  }
0x14: {  	[sflag:s11] =	ssyncset.done $0x0  }
0x15: {  	[sflag:s11] =	ssyncadd.s32 $0xFFFFD800  }
0x16: {  	[tilespmem:s13], [sflag:$0x1] =	stream.linear.gather [hbm4b:s4+s3], $0x800, $0x38;
	[tilespmem:$0x5800] =	vst v63  }
0x17: {  	_ =	swait.ge [sflag:s11], $0x800  }
0x18: {  	[sflag:s11] =	ssyncset.done $0x0  }
0x19: {  	[sflag:s11] =	ssyncadd.s32 $0xFFFFF800  }
0x1a: {  	s16 =	simm.s32 $0x2800;
	[bflag:$0x0] =	sbarrier.arrive $0xFFFF  }
0x1b: {  	[spmem:s2] =	stream.indirect.scatter.add.f32 [tilespmem:s13], [sflag:$0x1], $0x10, s16, s14, $0xb8;
	[tilespmem:$0x5800] =	vst v63  }
0x1c: {  	s16 =	simm.s32 $0x200;
	_ =	swait.ge [sflag:s11], $0x800  }
.LBB2_2:
0x1d: {  	s17 =	sshra.s32 s16, $0x2;
	[sflag:s11] =	ssyncset.done $0x0;
	p0 =	sne.s32 s16, $0x9E00  }
.Ltmp0:
0x1e: {  	s17 =	sadd.s32 $0x2800, s17;
	[sflag:s11] =	ssyncadd.s32 $0xFFFFF800;
	(pc) =	sbr.rel @p0 .LBB2_2-.Ltmp0, $3  }
0x1f: {  	[spmem:s2] =	stream.indirect.scatter.add.f32 [tilespmem:s13], [sflag:$0x1], $0x10, s17, s14, $0xb8;
	[tilespmem:$0x5800] =	vst v63  }
0x20: {  	s16 =	sadd.s32 $0x200, s16;
	_ =	sdelay $0x1  }
0x21: {  	_ =	swait.ge [sflag:s11], $0x800  }
0x22: {  	[sflag:s11] =	ssyncset.done $0x0;
	s15 =	sadd.s32 $0x1, s15  }
0x23: {  	[sflag:s11] =	ssyncadd.s32 $0xFFFFF800;
	p0 =	sne.s32 s15, s9  }
.Ltmp1:
0x24: {  	[bflag:$0x0] =	sbarrier.arrive $0xFFFF;
	(pc) =	sbr.rel @p0 .LBB2_1-.Ltmp1, $4  }
0x25: {  	[hbm:s8], [sflag:s6] =	dma.local [spmem:s10], $0x500  }
0x26: {  	_ =	swait.ge [sflag:s11], $0x500  }
0x27: {  	[sflag:s11] =	ssyncset.done $0x0  }
0x28: {  	[sflag:s11] =	ssyncadd.s32 $0xFFFFFB00  }
0x29: {  	_ =	sfence.sel $0x180000  }
0x2a: {  	[bflag:$0x0] =	sbarrier.arrive $0xFFFF  }
0x2b: {  	p0 =	sne.s32 s0, $0x0;
	_ =	strace $0x90000047  }
0x2c: {  	s0 =	sadd.s32 @!p0 $0x100000, s1;
	[bflag:$0x2] =	sbarrier.arrive $0xFFFF  }
0x2d: {  	[sflag:s0] =	ssyncadd.tile.s32 @!p0 $0x1;
	_ =	shalt  }
.Lfunc_end2:
_tile_overlayer_lowered:
.L_overlay_start_2:
0x2e: {  	(tag) =	ssettag $0x2  }
0x2f: {  	s0 =	rddreg [dreg:$0x0];
	s2 =	stileid.u32  }
0x30: {  	s1 =	rddreg [dreg:$0x1];
	p0 =	sne.s32 s2, $0x0  }
0x31: {  	s3 =	rddreg [dreg:$0x2];
	[bflag:$0x3] =	sbarrier.arrive $0xFFFF;
	s2 =	simm.s32 @!p0 $0x1C01  }
0x32: {  	[timem:s3], [sflag:s2] =	dma.local @!p0 [hbm:s0], s1  }
0x33: {  	s0 =	simm.s32 @!p0 $0x1  }
0x34: {  	_ =	swait.ge @!p0 [sflag:s0], s1  }
0x35: {  	s1 =	ssub.s32 @!p0 $0x0, s1;
	[sflag:s0] =	ssyncset.done @!p0 $0x0  }
0x36: {  	[sflag:s0] =	ssyncadd.s32 @!p0 s1  }
0x37: {  	[bflag:$0x3] =	sbarrier.arrive $0xFFFF  }
0x38: {  	_ =	shalt  }

</sc_bundles>
